<compile_context>
chip_gen: v7x
topology: tpu7x:2x2x1
jax: 0.10.2.dev20260603
libtpu: 0.0.44.dev20260713+nightly
codegen_flags: <defaults>
</compile_context>

<pallas_src>
import functools

import jax
import jax.numpy as jnp
from jax import lax
from jax.experimental import pallas as pl
from jax.experimental.pallas import tpu as pltpu
from jax.experimental.pallas import tpu_sc as plsc

E = 8
TOPK = 2
H = 768
FF = 768
M = 2048
P = M * TOPK
TM = 256
NT = P // TM
NWK = 24
NW = 32
RPW = P // NW


def _shift_down(a, k):
    return jnp.concatenate(
        [jnp.zeros((k, a.shape[1]), a.dtype), a[:-k, :]], axis=0)


def _shift_right(a, k):
    return jnp.concatenate(
        [jnp.zeros((a.shape[0], k), a.dtype), a[:, :-k]], axis=1)


def _router_body(x_ref, gw_ref, logits_ref, wflat_ref, dst_ref,
                 offs_ref, wle_ref, wlt_ref):
    x = x_ref[...]
    logits = lax.dot_general(x, gw_ref[...], (((1,), (1,)), ((), ())),
                             preferred_element_type=jnp.float32)
    logits_ref[...] = logits

    lane = lax.broadcasted_iota(jnp.int32, (M, E), 1)
    m1 = jnp.max(logits, axis=1, keepdims=True)
    a1 = jnp.min(jnp.where(logits == m1, lane, E), axis=1, keepdims=True)
    l2m = jnp.where(lane == a1, -jnp.inf, logits)
    m2 = jnp.max(l2m, axis=1, keepdims=True)
    a2 = jnp.min(jnp.where(l2m == m2, lane, E), axis=1, keepdims=True)
    w1 = 1.0 / (1.0 + jnp.exp(m2 - m1))
    wflat_ref[...] = jnp.concatenate([w1, 1.0 - w1], axis=1)

    oh1 = (lane == a1).astype(jnp.int32)
    oh2 = (lane == a2).astype(jnp.int32)
    c = oh1 + oh2
    incl = c
    for k in (1, 2, 4, 8, 16, 32, 64, 128, 256, 512, 1024):
        incl = incl + _shift_down(incl, k)
    excl = incl - c

    tot_row = jnp.sum(c, axis=0, keepdims=True)
    acc = _shift_right(tot_row, 1)
    acc = acc + _shift_right(acc, 1)
    acc = acc + _shift_right(acc, 2)
    acc = acc + _shift_right(acc, 4)
    offs_row = acc

    rank1 = jnp.sum(oh1 * excl, axis=1, keepdims=True)
    rank2 = jnp.sum(oh2 * (excl + oh1), axis=1, keepdims=True)
    offs_bcast = jnp.broadcast_to(offs_row, (M, E))
    off_a1 = jnp.sum(oh1 * offs_bcast, axis=1, keepdims=True)
    off_a2 = jnp.sum(oh2 * offs_bcast, axis=1, keepdims=True)
    dst_ref[...] = jnp.concatenate([off_a1 + rank1, off_a2 + rank2], axis=1)

    offs16 = jnp.concatenate(
        [offs_row, jnp.full((1, 1), P, jnp.int32),
         jnp.zeros((1, 7), jnp.int32)], axis=1)
    offs_ref[...] = jnp.broadcast_to(offs16, (8, 16))

    ones_col = jnp.ones((M, 1), jnp.float32)
    tot_col = lax.dot_general(c.astype(jnp.float32), ones_col,
                              (((0,), (0,)), ((), ())),
                              precision=lax.Precision.HIGHEST,
                              preferred_element_type=jnp.float32)
    tot_col = tot_col.astype(jnp.int32)
    inc = tot_col
    inc = inc + _shift_down(inc, 1)
    inc = inc + _shift_down(inc, 2)
    inc = inc + _shift_down(inc, 4)
    offs_col = inc - tot_col
    hi_col = offs_col + tot_col
    lo_t = offs_col >> 8
    hi_t = (hi_col + (TM - 1)) >> 8
    count = jnp.where(tot_col > 0, hi_t - lo_t, 0)
    sinc = count
    sinc = sinc + _shift_down(sinc, 1)
    sinc = sinc + _shift_down(sinc, 2)
    sinc = sinc + _shift_down(sinc, 4)
    start = sinc - count

    p_iota = lax.broadcasted_iota(jnp.int32, (E, 32), 1)
    b = (start <= p_iota).astype(jnp.int32)
    bsel = b - jnp.concatenate([b[1:, :], jnp.zeros((1, 32), jnp.int32)],
                               axis=0)
    wle = jnp.sum(b, axis=0, keepdims=True) - 1
    start_at = jnp.sum(bsel * start, axis=0, keepdims=True)
    lo_at = jnp.sum(bsel * lo_t, axis=0, keepdims=True)
    hi_at = jnp.sum(bsel * hi_t, axis=0, keepdims=True)
    p_row = lax.broadcasted_iota(jnp.int32, (1, 32), 1)
    wlt = lo_at + (p_row - start_at)
    wlt = jnp.clip(jnp.minimum(wlt, hi_at - 1), 0, NT - 1)
    wle_ref[...] = jnp.broadcast_to(wle, (8, 32))
    wlt_ref[...] = jnp.broadcast_to(wlt, (8, 32))


def _router(x, gate_w):
    return pl.pallas_call(
        _router_body,
        out_shape=(
            jax.ShapeDtypeStruct((M, E), jnp.float32),
            jax.ShapeDtypeStruct((M, TOPK), jnp.float32),
            jax.ShapeDtypeStruct((M, TOPK), jnp.int32),
            jax.ShapeDtypeStruct((8, 16), jnp.int32),
            jax.ShapeDtypeStruct((8, 32), jnp.int32),
            jax.ShapeDtypeStruct((8, 32), jnp.int32),
        ),
    )(x, gate_w)


def _sc_permute(table, idx, gather_by_idx):
    rows, width = (P, table.shape[1])
    mesh = plsc.VectorSubcoreMesh(core_axis_name="c", subcore_axis_name="s")

    @functools.partial(
        pl.kernel,
        out_type=jax.ShapeDtypeStruct((rows, width), table.dtype),
        mesh=mesh,
        scratch_types=[
            pltpu.VMEM((RPW,), jnp.int32),
            pltpu.VMEM((RPW,), jnp.int32),
            pltpu.VMEM((RPW, width), table.dtype),
            pltpu.SemaphoreType.DMA,
        ],
    )
    def k(table_hbm, idx_hbm, out_hbm, idx_v, tok_v, rows_v, sem):
        wid = lax.axis_index("s") * 2 + lax.axis_index("c")
        base = wid * RPW
        pltpu.sync_copy(idx_hbm.at[pl.ds(base, RPW)], idx_v)
        if gather_by_idx:
            pltpu.async_copy(table_hbm.at[idx_v], rows_v, sem).wait()
            pltpu.sync_copy(rows_v, out_hbm.at[pl.ds(base, RPW)])
        else:
            @pl.loop(0, RPW // 16)
            def _(cc):
                tok_v[pl.ds(cc * 16, 16)] = lax.shift_right_logical(
                    base + cc * 16 + lax.iota(jnp.int32, 16), 1)
            pltpu.async_copy(table_hbm.at[tok_v], rows_v, sem).wait()
            pltpu.async_copy(rows_v, out_hbm.at[idx_v], sem).wait()

    return k(table, idx)


def _gemm_body(offs_ref, wle_ref, wlt_ref, xs_ref, wg_ref, wu_ref, wd_ref,
               ys_ref):
    p = pl.program_id(0)
    e = wle_ref[p]
    t = wlt_ref[p]
    lo = offs_ref[e]
    hi = offs_ref[e + 1]
    row0 = t * TM

    @pl.when((hi > row0) & (lo < row0 + TM))
    def _():
        sl = pl.ds(row0, TM)
        xt = xs_ref[sl, :].astype(jnp.bfloat16)
        g = lax.dot_general(xt, wg_ref[0], (((1,), (1,)), ((), ())),
                            preferred_element_type=jnp.float32)
        u = lax.dot_general(xt, wu_ref[0], (((1,), (1,)), ((), ())),
                            preferred_element_type=jnp.float32)
        h = (g / (1.0 + jnp.exp(-g))) * u
        y = lax.dot_general(h.astype(jnp.bfloat16), wd_ref[0],
                            (((1,), (1,)), ((), ())),
                            preferred_element_type=jnp.float32)
        rows = row0 + lax.broadcasted_iota(jnp.int32, (TM, 1), 0)
        mask = (rows >= lo) & (rows < hi)
        ys_ref[sl, :] = jnp.where(mask, y, ys_ref[sl, :])


def _grouped_gemm(offs16, wle, wlt, xs, wg_bf, wu_bf, wd_bf):
    grid_spec = pltpu.PrefetchScalarGridSpec(
        num_scalar_prefetch=3,
        grid=(NWK,),
        in_specs=[
            pl.BlockSpec((P, H), lambda p, o, we, wt: (0, 0)),
            pl.BlockSpec((1, FF, H), lambda p, o, we, wt: (we[p], 0, 0)),
            pl.BlockSpec((1, FF, H), lambda p, o, we, wt: (we[p], 0, 0)),
            pl.BlockSpec((1, H, FF), lambda p, o, we, wt: (we[p], 0, 0)),
        ],
        out_specs=pl.BlockSpec((P, H), lambda p, o, we, wt: (0, 0)),
    )
    return pl.pallas_call(
        _gemm_body,
        grid_spec=grid_spec,
        out_shape=jax.ShapeDtypeStruct((P, H), jnp.float32),
        compiler_params=pltpu.CompilerParams(
            dimension_semantics=("arbitrary",)),
    )(offs16, wle, wlt, xs, wg_bf, wu_bf, wd_bf)


def _combine_body(hu_ref, wflat_ref, out_ref):
    h = hu_ref[...]
    w1 = wflat_ref[:, 0:1]
    w2 = wflat_ref[:, 1:2]
    out_ref[...] = (h[:, :H].astype(jnp.float32) * w1
                    + h[:, H:].astype(jnp.float32) * w2)


def _combine(hu2, wflat):
    return pl.pallas_call(
        _combine_body,
        out_shape=jax.ShapeDtypeStruct((M, H), jnp.float32),
    )(hu2, wflat)


@jax.jit
def kernel(hidden_states, gate_w, gate_proj_w, up_proj_w, down_proj_w):
    B_, S_, H_ = hidden_states.shape
    x = hidden_states.reshape(M, H)

    (logits, wflat, dst2, offs_o, wle_o, wlt_o) = _router(x, gate_w)
    dst = dst2.reshape(P)
    offs16 = offs_o[0]
    wle = wle_o[0]
    wlt = wlt_o[0]

    wg_bf = gate_proj_w.astype(jnp.bfloat16)
    wu_bf = up_proj_w.astype(jnp.bfloat16)
    wd_bf = down_proj_w.astype(jnp.bfloat16)

    xs = _sc_permute(x, dst, gather_by_idx=False)
    ys = _grouped_gemm(offs16, wle, wlt, xs, wg_bf, wu_bf, wd_bf)
    hu = _sc_permute(ys, dst, gather_by_idx=True)
    out = _combine(hu.reshape(M, TOPK * H), wflat)

    return out.reshape(B_, S_, H_), logits

# --- scband reference (transcript-rebuilt; emitter-appended) ---
"""Pipeline reference for scband-qwen3-moe-fused-sparse-moe-block-31585189495029 (READ-ONLY COPY).

The authoritative reference and input builder live on the scoring server;
editing this copy changes nothing except your own understanding.
"""

import jax, jax.numpy as jnp
import numpy as np

E = 8
TOPK = 2
H = 768
FF = 768
B = 1
S = 2048


def setup_inputs(seed: int = 0) -> dict:
    key = jax.random.key(seed)
    ks = jax.random.split(key, 5)
    b_h = float(np.sqrt(3.0 * 5.0 / H))
    b_ff = float(np.sqrt(3.0 * 5.0 / FF))
    b_gate = float(1.0 / np.sqrt(H))
    hidden_states = jax.random.normal(ks[0], (B, S, H), dtype=jnp.float32)
    gate_w = jax.random.uniform(ks[1], (E, H), dtype=jnp.float32, minval=-b_gate, maxval=b_gate)
    gate_proj_w = jax.random.uniform(ks[2], (E, FF, H), dtype=jnp.float32, minval=-b_h, maxval=b_h)
    up_proj_w = jax.random.uniform(ks[3], (E, FF, H), dtype=jnp.float32, minval=-b_h, maxval=b_h)
    down_proj_w = jax.random.uniform(ks[4], (E, H, FF), dtype=jnp.float32, minval=-b_ff, maxval=b_ff)
    return {
        "hidden_states": hidden_states,
        "gate_w": gate_w,
        "gate_proj_w": gate_proj_w,
        "up_proj_w": up_proj_w,
        "down_proj_w": down_proj_w,
    }


def _grouped_linear(x, w, eids):
    # moe_fused_linear: per-expert segment matmul on expert-sorted rows.
    # y[i] = w[eids[i]] @ x[i]; computed as masked accumulation over experts
    # (mathematically identical to the grouped/ragged matmul with m_sizes).
    y = jnp.zeros((x.shape[0], w.shape[1]), dtype=x.dtype)
    for e in range(w.shape[0]):
        mask = (eids == e)[:, None]
        y = y + jnp.where(mask, x @ w[e].T, jnp.zeros((), dtype=x.dtype))
    return y


def reference(hidden_states, gate_w, gate_proj_w, up_proj_w, down_proj_w):
    B_, S_, H_ = hidden_states.shape
    M = B_ * S_
    x = hidden_states.reshape(M, H_)
    router_logits = x @ gate_w.T
    routing_weights = jax.nn.softmax(router_logits.astype(jnp.float32), axis=1)
    routing_weights, selected_experts = jax.lax.top_k(routing_weights, TOPK)
    # norm_topk_prob = True
    routing_weights = routing_weights / jnp.sum(routing_weights, axis=-1, keepdims=True)
    routing_weights = routing_weights.astype(x.dtype)
    xe = jnp.broadcast_to(x[:, None, :], (M, TOPK, H_)).reshape(M * TOPK, H_)
    sel_flat = selected_experts.reshape(M * TOPK)
    sort_idx = jnp.argsort(sel_flat, stable=True)
    inv_sort_idx = jnp.argsort(sort_idx)
    xs = xe[sort_idx]
    eids = sel_flat[sort_idx]
    gate_h = _grouped_linear(xs, gate_proj_w, eids)
    up_h = _grouped_linear(xs, up_proj_w, eids)
    h = jax.nn.silu(gate_h) * up_h
    h = _grouped_linear(h, down_proj_w, eids)
    h = h[inv_sort_idx].reshape(M, TOPK, H_)
    out = jnp.einsum('beo,be->bo', h, routing_weights)
    out = out.reshape(B_, S_, H_)
    return out, router_logits

if __name__ == "__main__":
    import jax
    _d = setup_inputs()
    print(jax.jit(kernel)(*tuple(_d.values())))

</pallas_src>

<mosaic_0001>
#map = affine_map<(d0, d1) -> (0, 0)>
#map1 = affine_map<(d0, d1) -> (0)>
module attributes {stable_mosaic.version = 14 : i64} {
  func.func @k(%arg0: i32, %arg1: i32, %arg2: memref<4096x768xf32, #tpu.memory_space<hbm>>, %arg3: memref<4096xi32, #tpu.memory_space<hbm>>, %arg4: memref<4096x768xf32, #tpu.memory_space<hbm>>, %arg5: memref<128xi32, #tpu.memory_space<vmem>>, %arg6: memref<128xi32, #tpu.memory_space<vmem>>, %arg7: memref<128x768xf32, #tpu.memory_space<vmem>>, %arg8: memref<!tpu.dma_semaphore, #tpu.memory_space<semaphore_mem>>) attributes {dimension_semantics = [#tpu.dimension_semantics<core_parallel>, #tpu.dimension_semantics<subcore_parallel>], iteration_bounds = array<i64: 2, 16>, scalar_prefetch = 0 : i64, scratch_operands = 4 : i64, tpu.core_type = #tpu.core_type<sc_vector_subcore>, window_params = [{transform_indices = #map}, {transform_indices = #map1}, {transform_indices = #map}]} {
    %mul3A = arith.constant 2 : i32
    %mul3A_0 = arith.muli %arg1, %mul3A : i32
    %add3A = arith.addi %mul3A_0, %arg0 : i32
    %mul3A_1 = arith.constant 128 : i32
    %mul3A_2 = arith.muli %add3A, %mul3A_1 : i32
    "tpu.region"() ({
      %run_scoped3A = tpu.sem_alloc : memref<!tpu.dma_semaphore, #tpu.memory_space<semaphore_mem>>
      %dma_start3A_7 = tpu.memref_slice %arg3[%mul3A_2] : memref<4096xi32, #tpu.memory_space<hbm>> -> memref<128xi32, #tpu.memory_space<hbm>>
      %dma_start3A_8 = tpu.memref_slice %arg3[%mul3A_2] : memref<4096xi32, #tpu.memory_space<hbm>> -> memref<128xi32, #tpu.memory_space<hbm>>
      tpu.enqueue_dma source(%dma_start3A_8 : memref<128xi32, #tpu.memory_space<hbm>>) target(%arg5 : memref<128xi32, #tpu.memory_space<vmem>>) target_semaphore(%run_scoped3A : memref<!tpu.dma_semaphore, #tpu.memory_space<semaphore_mem>>)
      %dma_wait3A_9 = tpu.memref_slice %arg3[%mul3A_2] : memref<4096xi32, #tpu.memory_space<hbm>> -> memref<128xi32, #tpu.memory_space<hbm>>
      %dma_wait3A_10 = tpu.memref_slice %arg3[%mul3A_2] : memref<4096xi32, #tpu.memory_space<hbm>> -> memref<128xi32, #tpu.memory_space<hbm>>
      tpu.wait_dma2 semaphore(%run_scoped3A : memref<!tpu.dma_semaphore, #tpu.memory_space<semaphore_mem>>) src(%dma_wait3A_10 : memref<128xi32, #tpu.memory_space<hbm>>) dst(%arg5 : memref<128xi32, #tpu.memory_space<vmem>>)
      tpu.yield
    }) : () -> ()
    %dma_start3A = arith.constant 0 : i32
    %dma_start3A_3 = arith.constant 0 : i32
    %dma_start3A_4 = tpu.memref_slice %arg2[%dma_start3A, %dma_start3A_3] : memref<4096x768xf32, #tpu.memory_space<hbm>> -> memref<4096x768xf32, #tpu.memory_space<hbm>>
    tpu.enqueue_indirect_dma source(%dma_start3A_4 : memref<4096x768xf32, #tpu.memory_space<hbm>>) target(%arg7 : memref<128x768xf32, #tpu.memory_space<vmem>>) offsets(%arg5 : memref<128xi32, #tpu.memory_space<vmem>>) semaphore(%arg8 : memref<!tpu.dma_semaphore, #tpu.memory_space<semaphore_mem>>)
    %dma_wait3A = arith.constant 0 : i32
    %dma_wait3A_5 = arith.constant 0 : i32
    %dma_wait3A_6 = tpu.memref_slice %arg2[%dma_wait3A, %dma_wait3A_5] : memref<4096x768xf32, #tpu.memory_space<hbm>> -> memref<4096x768xf32, #tpu.memory_space<hbm>>
    tpu.wait_indirect_dma semaphore(%arg8 : memref<!tpu.dma_semaphore, #tpu.memory_space<semaphore_mem>>) src(%dma_wait3A_6 : memref<4096x768xf32, #tpu.memory_space<hbm>>) dst(%arg7 : memref<128x768xf32, #tpu.memory_space<vmem>>)
    "tpu.region"() ({
      %run_scoped3A = tpu.sem_alloc : memref<!tpu.dma_semaphore, #tpu.memory_space<semaphore_mem>>
      %dma_start3A_7 = arith.constant 0 : i32
      %dma_start3A_8 = tpu.memref_slice %arg4[%mul3A_2, %dma_start3A_7] : memref<4096x768xf32, #tpu.memory_space<hbm>> -> memref<128x768xf32, #tpu.memory_space<hbm>>
      %dma_start3A_9 = arith.constant 0 : i32
      %dma_start3A_10 = tpu.memref_slice %arg4[%mul3A_2, %dma_start3A_9] : memref<4096x768xf32, #tpu.memory_space<hbm>> -> memref<128x768xf32, #tpu.memory_space<hbm>>
      tpu.enqueue_dma source(%arg7 : memref<128x768xf32, #tpu.memory_space<vmem>>) target(%dma_start3A_10 : memref<128x768xf32, #tpu.memory_space<hbm>>) target_semaphore(%run_scoped3A : memref<!tpu.dma_semaphore, #tpu.memory_space<semaphore_mem>>)
      %dma_wait3A_11 = arith.constant 0 : i32
      %dma_wait3A_12 = tpu.memref_slice %arg4[%mul3A_2, %dma_wait3A_11] : memref<4096x768xf32, #tpu.memory_space<hbm>> -> memref<128x768xf32, #tpu.memory_space<hbm>>
      %dma_wait3A_13 = arith.constant 0 : i32
      %dma_wait3A_14 = tpu.memref_slice %arg4[%mul3A_2, %dma_wait3A_13] : memref<4096x768xf32, #tpu.memory_space<hbm>> -> memref<128x768xf32, #tpu.memory_space<hbm>>
      tpu.wait_dma2 semaphore(%run_scoped3A : memref<!tpu.dma_semaphore, #tpu.memory_space<semaphore_mem>>) src(%arg7 : memref<128x768xf32, #tpu.memory_space<vmem>>) dst(%dma_wait3A_14 : memref<128x768xf32, #tpu.memory_space<hbm>>)
      tpu.yield
    }) : () -> ()
    return
  }
}

#map = affine_map<(d0, d1) -> (0, 0)>
#map1 = affine_map<(d0, d1) -> (0)>
module attributes {stable_mosaic.version = 14 : i64} {
  func.func @k(%arg0: i32, %arg1: i32, %arg2: memref<2048x768xf32, #tpu.memory_space<hbm>>, %arg3: memref<4096xi32, #tpu.memory_space<hbm>>, %arg4: memref<4096x768xf32, #tpu.memory_space<hbm>>, %arg5: memref<128xi32, #tpu.memory_space<vmem>>, %arg6: memref<128xi32, #tpu.memory_space<vmem>>, %arg7: memref<128x768xf32, #tpu.memory_space<vmem>>, %arg8: memref<!tpu.dma_semaphore, #tpu.memory_space<semaphore_mem>>) attributes {dimension_semantics = [#tpu.dimension_semantics<core_parallel>, #tpu.dimension_semantics<subcore_parallel>], iteration_bounds = array<i64: 2, 16>, scalar_prefetch = 0 : i64, scratch_operands = 4 : i64, tpu.core_type = #tpu.core_type<sc_vector_subcore>, window_params = [{transform_indices = #map}, {transform_indices = #map1}, {transform_indices = #map}]} {
    %mul3A = arith.constant 2 : i32
    %mul3A_0 = arith.muli %arg1, %mul3A : i32
    %add3A = arith.addi %mul3A_0, %arg0 : i32
    %mul3A_1 = arith.constant 128 : i32
    %mul3A_2 = arith.muli %add3A, %mul3A_1 : i32
    "tpu.region"() ({
      %run_scoped3A = tpu.sem_alloc : memref<!tpu.dma_semaphore, #tpu.memory_space<semaphore_mem>>
      %dma_start3A_17 = tpu.memref_slice %arg3[%mul3A_2] : memref<4096xi32, #tpu.memory_space<hbm>> -> memref<128xi32, #tpu.memory_space<hbm>>
      %dma_start3A_18 = tpu.memref_slice %arg3[%mul3A_2] : memref<4096xi32, #tpu.memory_space<hbm>> -> memref<128xi32, #tpu.memory_space<hbm>>
      tpu.enqueue_dma source(%dma_start3A_18 : memref<128xi32, #tpu.memory_space<hbm>>) target(%arg5 : memref<128xi32, #tpu.memory_space<vmem>>) target_semaphore(%run_scoped3A : memref<!tpu.dma_semaphore, #tpu.memory_space<semaphore_mem>>)
      %dma_wait3A_19 = tpu.memref_slice %arg3[%mul3A_2] : memref<4096xi32, #tpu.memory_space<hbm>> -> memref<128xi32, #tpu.memory_space<hbm>>
      %dma_wait3A_20 = tpu.memref_slice %arg3[%mul3A_2] : memref<4096xi32, #tpu.memory_space<hbm>> -> memref<128xi32, #tpu.memory_space<hbm>>
      tpu.wait_dma2 semaphore(%run_scoped3A : memref<!tpu.dma_semaphore, #tpu.memory_space<semaphore_mem>>) src(%dma_wait3A_20 : memref<128xi32, #tpu.memory_space<hbm>>) dst(%arg5 : memref<128xi32, #tpu.memory_space<vmem>>)
      tpu.yield
    }) : () -> ()
    %scan3A = arith.constant 0 : i32
    %scan3A_3 = arith.constant 8 : i32
    %scan3A_4 = arith.addi %scan3A, %scan3A_3 : i32
    %scan3A_5 = arith.constant 1 : i32
    scf.for %scan3A_17 = %scan3A to %scan3A_4 step %scan3A_5  : i32 {
      %mul3A_18 = arith.constant 1 : i32
      %mul3A_19 = arith.muli %scan3A_17, %mul3A_18 : i32
      %add3A_20 = arith.constant 0 : i32
      %add3A_21 = arith.addi %add3A_20, %mul3A_19 : i32
      %mul3A_22 = arith.constant 16 : i32
      %mul3A_23 = arith.muli %add3A_21, %mul3A_22 : i32
      %add3A_24 = arith.addi %mul3A_2, %mul3A_23 : i32
      %iota3A = tpu.iota {dimensions = array<i32: 0>} : vector<16xi32>
      %add3A_25 = vector.broadcast %add3A_24 : i32 to vector<16xi32>
      %add3A_26 = arith.addi %add3A_25, %iota3A : vector<16xi32>
      %shift_right_logical3A = arith.constant 1 : i32
      %shift_right_logical3A_27 = vector.broadcast %shift_right_logical3A : i32 to vector<16xi32>
      %shift_right_logical3A_28 = arith.shrui %add3A_26, %shift_right_logical3A_27 : vector<16xi32>
      %mul3A_29 = arith.constant 16 : i32
      %mul3A_30 = arith.muli %add3A_21, %mul3A_29 : i32
      %swap3A = arith.index_cast %mul3A_30 : i32 to index
      %swap3A_31 = tpu.vector_load %arg6[%swap3A] {strides = array<i32>} : memref<128xi32, #tpu.memory_space<vmem>>, vector<16xi32>,
      %swap3A_32 = vector.shape_cast %swap3A_31 : vector<16xi32> to vector<16xi32>
      %swap3A_33 = vector.shape_cast %shift_right_logical3A_28 : vector<16xi32> to vector<16xi32>
      tpu.vector_store %arg6[%swap3A], %swap3A_33 {strides = array<i32>} : memref<128xi32, #tpu.memory_space<vmem>>, vector<16xi32>,
    }
    %scan3A_6 = arith.constant 8 : i32
    %dma_start3A = arith.constant 0 : i32
    %dma_start3A_7 = arith.constant 0 : i32
    %dma_start3A_8 = tpu.memref_slice %arg2[%dma_start3A, %dma_start3A_7] : memref<2048x768xf32, #tpu.memory_space<hbm>> -> memref<2048x768xf32, #tpu.memory_space<hbm>>
    tpu.enqueue_indirect_dma source(%dma_start3A_8 : memref<2048x768xf32, #tpu.memory_space<hbm>>) target(%arg7 : memref<128x768xf32, #tpu.memory_space<vmem>>) offsets(%arg6 : memref<128xi32, #tpu.memory_space<vmem>>) semaphore(%arg8 : memref<!tpu.dma_semaphore, #tpu.memory_space<semaphore_mem>>)
    %dma_wait3A = arith.constant 0 : i32
    %dma_wait3A_9 = arith.constant 0 : i32
    %dma_wait3A_10 = tpu.memref_slice %arg2[%dma_wait3A, %dma_wait3A_9] : memref<2048x768xf32, #tpu.memory_space<hbm>> -> memref<2048x768xf32, #tpu.memory_space<hbm>>
    tpu.wait_indirect_dma semaphore(%arg8 : memref<!tpu.dma_semaphore, #tpu.memory_space<semaphore_mem>>) src(%dma_wait3A_10 : memref<2048x768xf32, #tpu.memory_space<hbm>>) dst(%arg7 : memref<128x768xf32, #tpu.memory_space<vmem>>)
    %dma_start3A_11 = arith.constant 0 : i32
    %dma_start3A_12 = arith.constant 0 : i32
    %dma_start3A_13 = tpu.memref_slice %arg4[%dma_start3A_11, %dma_start3A_12] : memref<4096x768xf32, #tpu.memory_space<hbm>> -> memref<4096x768xf32, #tpu.memory_space<hbm>>
    tpu.enqueue_indirect_dma source(%arg7 : memref<128x768xf32, #tpu.memory_space<vmem>>) target(%dma_start3A_13 : memref<4096x768xf32, #tpu.memory_space<hbm>>) offsets(%arg5 : memref<128xi32, #tpu.memory_space<vmem>>) semaphore(%arg8 : memref<!tpu.dma_semaphore, #tpu.memory_space<semaphore_mem>>)
    %dma_wait3A_14 = arith.constant 0 : i32
    %dma_wait3A_15 = arith.constant 0 : i32
    %dma_wait3A_16 = tpu.memref_slice %arg4[%dma_wait3A_14, %dma_wait3A_15] : memref<4096x768xf32, #tpu.memory_space<hbm>> -> memref<4096x768xf32, #tpu.memory_space<hbm>>
    tpu.wait_indirect_dma semaphore(%arg8 : memref<!tpu.dma_semaphore, #tpu.memory_space<semaphore_mem>>) src(%arg7 : memref<128x768xf32, #tpu.memory_space<vmem>>) dst(%dma_wait3A_16 : memref<4096x768xf32, #tpu.memory_space<hbm>>)
    return
  }
}

module attributes {stable_mosaic.version = 14 : i64} {
  func.func @_router_body(%arg0: memref<2048x768xf32, #tpu.memory_space<vmem>>, %arg1: memref<8x768xf32, #tpu.memory_space<vmem>>, %arg2: memref<2048x8xf32, #tpu.memory_space<vmem>>, %arg3: memref<2048x2xf32, #tpu.memory_space<vmem>>, %arg4: memref<2048x2xi32, #tpu.memory_space<vmem>>, %arg5: memref<8x16xi32, #tpu.memory_space<vmem>>, %arg6: memref<8x32xi32, #tpu.memory_space<vmem>>, %arg7: memref<8x32xi32, #tpu.memory_space<vmem>>) attributes {dimension_semantics = [], scalar_prefetch = 0 : i64, scratch_operands = 0 : i64, tpu.core_type = #tpu.core_type<tc>} {
    %get3A = arith.constant 0 : index
    %get3A_0 = arith.constant 0 : index
    %get3A_1 = vector.load %arg0[%get3A, %get3A_0] : memref<2048x768xf32, #tpu.memory_space<vmem>>, vector<2048x768xf32>
    %get3A_2 = arith.constant 0 : index
    %get3A_3 = arith.constant 0 : index
    %get3A_4 = vector.load %arg1[%get3A_2, %get3A_3] : memref<8x768xf32, #tpu.memory_space<vmem>>, vector<8x768xf32>
    %dot_general3A = arith.constant dense<0.000000e+00> : vector<2048x8xf32>
    %dot_general3A_5 = tpu.matmul %get3A_1, %get3A_4, %dot_general3A {dimension_numbers = #tpu.dot_dimension_numbers<[1], [1], [0], [0], [0, 0, 1, 0], [], []>, transpose_lhs_hint = false} : vector<2048x768xf32>, vector<8x768xf32>, vector<2048x8xf32> -> vector<2048x8xf32>
    %swap3A = arith.constant 0 : index
    %swap3A_6 = arith.constant 0 : index
    %swap3A_7 = vector.load %arg2[%swap3A, %swap3A_6] : memref<2048x8xf32, #tpu.memory_space<vmem>>, vector<2048x8xf32>
    tpu.vector_store %arg2[%swap3A, %swap3A_6], %dot_general3A_5 {strides = array<i32>} : memref<2048x8xf32, #tpu.memory_space<vmem>>, vector<2048x8xf32>,
    %iota3A = tpu.iota {dimensions = array<i32: 1>} : vector<2048x8xi32>
    %reduce_max3A = arith.constant dense<0xFF800000> : vector<2048xf32>
    %reduce_max3A_8 = vector.multi_reduction <maximumf>, %dot_general3A_5, %reduce_max3A [1] : vector<2048x8xf32> to vector<2048xf32>
    %broadcast_in_dim3A = vector.shape_cast %reduce_max3A_8 : vector<2048xf32> to vector<2048x1xf32>
    %eq3A = vector.broadcast %broadcast_in_dim3A : vector<2048x1xf32> to vector<2048x8xf32>
    %eq3A_9 = arith.cmpf oeq, %dot_general3A_5, %eq3A : vector<2048x8xf32>
    %jit3A = arith.constant 8 : i32
    %broadcast_in_dim3A_10 = vector.broadcast %jit3A : i32 to vector<2048x8xi32>
    %select_n3A = arith.select %eq3A_9, %iota3A, %broadcast_in_dim3A_10 : vector<2048x8xi1>, vector<2048x8xi32>
    %reduce_min3A = arith.constant dense<2147483647> : vector<2048xi32>
    %reduce_min3A_11 = vector.multi_reduction <minsi>, %select_n3A, %reduce_min3A [1] : vector<2048x8xi32> to vector<2048xi32>
    %broadcast_in_dim3A_12 = vector.shape_cast %reduce_min3A_11 : vector<2048xi32> to vector<2048x1xi32>
    %eq3A_13 = vector.broadcast %broadcast_in_dim3A_12 : vector<2048x1xi32> to vector<2048x8xi32>
    %eq3A_14 = arith.cmpi eq, %iota3A, %eq3A_13 : vector<2048x8xi32>
    %jit3A_15 = arith.constant 0xFF800000 : f32
    %broadcast_in_dim3A_16 = vector.broadcast %jit3A_15 : f32 to vector<2048x8xf32>
    %select_n3A_17 = arith.select %eq3A_14, %broadcast_in_dim3A_16, %dot_general3A_5 : vector<2048x8xi1>, vector<2048x8xf32>
    %reduce_max3A_18 = arith.constant dense<0xFF800000> : vector<2048xf32>
    %reduce_max3A_19 = vector.multi_reduction <maximumf>, %select_n3A_17, %reduce_max3A_18 [1] : vector<2048x8xf32> to vector<2048xf32>
    %broadcast_in_dim3A_20 = vector.shape_cast %reduce_max3A_19 : vector<2048xf32> to vector<2048x1xf32>
    %eq3A_21 = vector.broadcast %broadcast_in_dim3A_20 : vector<2048x1xf32> to vector<2048x8xf32>
    %eq3A_22 = arith.cmpf oeq, %select_n3A_17, %eq3A_21 : vector<2048x8xf32>
    %jit3A_23 = arith.constant 8 : i32
    %broadcast_in_dim3A_24 = vector.broadcast %jit3A_23 : i32 to vector<2048x8xi32>
    %select_n3A_25 = arith.select %eq3A_22, %iota3A, %broadcast_in_dim3A_24 : vector<2048x8xi1>, vector<2048x8xi32>
    %reduce_min3A_26 = arith.constant dense<2147483647> : vector<2048xi32>
    %reduce_min3A_27 = vector.multi_reduction <minsi>, %select_n3A_25, %reduce_min3A_26 [1] : vector<2048x8xi32> to vector<2048xi32>
    %broadcast_in_dim3A_28 = vector.shape_cast %reduce_min3A_27 : vector<2048xi32> to vector<2048x1xi32>
    %sub3A = arith.subf %broadcast_in_dim3A_20, %broadcast_in_dim3A : vector<2048x1xf32>
    %exp3A = math.exp %sub3A : vector<2048x1xf32>
    %add3A = arith.constant 1.000000e+00 : f32
    %add3A_29 = vector.broadcast %add3A : f32 to vector<2048x1xf32>
    %add3A_30 = arith.addf %add3A_29, %exp3A : vector<2048x1xf32>
    %div3A = arith.constant 1.000000e+00 : f32
    %div3A_31 = vector.broadcast %div3A : f32 to vector<2048x1xf32>
    %div3A_32 = arith.divf %div3A_31, %add3A_30 : vector<2048x1xf32>
    %sub3A_33 = arith.constant 1.000000e+00 : f32
    %sub3A_34 = vector.broadcast %sub3A_33 : f32 to vector<2048x1xf32>
    %sub3A_35 = arith.subf %sub3A_34, %div3A_32 : vector<2048x1xf32>
    %concatenate3A = tpu.concatenate %div3A_32, %sub3A_35 in 1 : vector<2048x1xf32>, vector<2048x1xf32> -> vector<2048x2xf32>
    %swap3A_36 = arith.constant 0 : index
    %swap3A_37 = arith.constant 0 : index
    %swap3A_38 = vector.load %arg3[%swap3A_36, %swap3A_37] : memref<2048x2xf32, #tpu.memory_space<vmem>>, vector<2048x2xf32>
    tpu.vector_store %arg3[%swap3A_36, %swap3A_37], %concatenate3A {strides = array<i32>} : memref<2048x2xf32, #tpu.memory_space<vmem>>, vector<2048x2xf32>,
    %eq3A_39 = vector.broadcast %broadcast_in_dim3A_12 : vector<2048x1xi32> to vector<2048x8xi32>
    %eq3A_40 = arith.cmpi eq, %iota3A, %eq3A_39 : vector<2048x8xi32>
    %convert_element_type3A = arith.extui %eq3A_40 : vector<2048x8xi1> to vector<2048x8xi32>
    %eq3A_41 = vector.broadcast %broadcast_in_dim3A_28 : vector<2048x1xi32> to vector<2048x8xi32>
    %eq3A_42 = arith.cmpi eq, %iota3A, %eq3A_41 : vector<2048x8xi32>
    %convert_element_type3A_43 = arith.extui %eq3A_42 : vector<2048x8xi1> to vector<2048x8xi32>
    %add3A_44 = arith.addi %convert_element_type3A, %convert_element_type3A_43 : vector<2048x8xi32>
    %broadcast_in_dim3A_45 = arith.constant 0 : i32
    %broadcast_in_dim3A_46 = vector.broadcast %broadcast_in_dim3A_45 : i32 to vector<1x8xi32>
    %slice3A = vector.extract_strided_slice %add3A_44 {offsets = [0, 0], sizes = [2047, 8], strides = [1, 1]} : vector<2048x8xi32> to vector<2047x8xi32>
    %concatenate3A_47 = tpu.concatenate %broadcast_in_dim3A_46, %slice3A in 0 : vector<1x8xi32>, vector<2047x8xi32> -> vector<2048x8xi32>
    %add3A_48 = arith.addi %add3A_44, %concatenate3A_47 : vector<2048x8xi32>
    %broadcast_in_dim3A_49 = arith.constant 0 : i32
    %broadcast_in_dim3A_50 = vector.broadcast %broadcast_in_dim3A_49 : i32 to vector<2x8xi32>
    %slice3A_51 = vector.extract_strided_slice %add3A_48 {offsets = [0, 0], sizes = [2046, 8], strides = [1, 1]} : vector<2048x8xi32> to vector<2046x8xi32>
    %concatenate3A_52 = tpu.concatenate %broadcast_in_dim3A_50, %slice3A_51 in 0 : vector<2x8xi32>, vector<2046x8xi32> -> vector<2048x8xi32>
    %add3A_53 = arith.addi %add3A_48, %concatenate3A_52 : vector<2048x8xi32>
    %broadcast_in_dim3A_54 = arith.constant 0 : i32
    %broadcast_in_dim3A_55 = vector.broadcast %broadcast_in_dim3A_54 : i32 to vector<4x8xi32>
    %slice3A_56 = vector.extract_strided_slice %add3A_53 {offsets = [0, 0], sizes = [2044, 8], strides = [1, 1]} : vector<2048x8xi32> to vector<2044x8xi32>
    %concatenate3A_57 = tpu.concatenate %broadcast_in_dim3A_55, %slice3A_56 in 0 : vector<4x8xi32>, vector<2044x8xi32> -> vector<2048x8xi32>
    %add3A_58 = arith.addi %add3A_53, %concatenate3A_57 : vector<2048x8xi32>
    %broadcast_in_dim3A_59 = arith.constant 0 : i32
    %broadcast_in_dim3A_60 = vector.broadcast %broadcast_in_dim3A_59 : i32 to vector<8x8xi32>
    %slice3A_61 = vector.extract_strided_slice %add3A_58 {offsets = [0, 0], sizes = [2040, 8], strides = [1, 1]} : vector<2048x8xi32> to vector<2040x8xi32>
    %concatenate3A_62 = tpu.concatenate %broadcast_in_dim3A_60, %slice3A_61 in 0 : vector<8x8xi32>, vector<2040x8xi32> -> vector<2048x8xi32>
    %add3A_63 = arith.addi %add3A_58, %concatenate3A_62 : vector<2048x8xi32>
    %broadcast_in_dim3A_64 = arith.constant 0 : i32
    %broadcast_in_dim3A_65 = vector.broadcast %broadcast_in_dim3A_64 : i32 to vector<16x8xi32>
    %slice3A_66 = vector.extract_strided_slice %add3A_63 {offsets = [0, 0], sizes = [2032, 8], strides = [1, 1]} : vector<2048x8xi32> to vector<2032x8xi32>
    %concatenate3A_67 = tpu.concatenate %broadcast_in_dim3A_65, %slice3A_66 in 0 : vector<16x8xi32>, vector<2032x8xi32> -> vector<2048x8xi32>
    %add3A_68 = arith.addi %add3A_63, %concatenate3A_67 : vector<2048x8xi32>
    %broadcast_in_dim3A_69 = arith.constant 0 : i32
    %broadcast_in_dim3A_70 = vector.broadcast %broadcast_in_dim3A_69 : i32 to vector<32x8xi32>
    %slice3A_71 = vector.extract_strided_slice %add3A_68 {offsets = [0, 0], sizes = [2016, 8], strides = [1, 1]} : vector<2048x8xi32> to vector<2016x8xi32>
    %concatenate3A_72 = tpu.concatenate %broadcast_in_dim3A_70, %slice3A_71 in 0 : vector<32x8xi32>, vector<2016x8xi32> -> vector<2048x8xi32>
    %add3A_73 = arith.addi %add3A_68, %concatenate3A_72 : vector<2048x8xi32>
    %broadcast_in_dim3A_74 = arith.constant 0 : i32
    %broadcast_in_dim3A_75 = vector.broadcast %broadcast_in_dim3A_74 : i32 to vector<64x8xi32>
    %slice3A_76 = vector.extract_strided_slice %add3A_73 {offsets = [0, 0], sizes = [1984, 8], strides = [1, 1]} : vector<2048x8xi32> to vector<1984x8xi32>
    %concatenate3A_77 = tpu.concatenate %broadcast_in_dim3A_75, %slice3A_76 in 0 : vector<64x8xi32>, vector<1984x8xi32> -> vector<2048x8xi32>
    %add3A_78 = arith.addi %add3A_73, %concatenate3A_77 : vector<2048x8xi32>
    %broadcast_in_dim3A_79 = arith.constant 0 : i32
    %broadcast_in_dim3A_80 = vector.broadcast %broadcast_in_dim3A_79 : i32 to vector<128x8xi32>
    %slice3A_81 = vector.extract_strided_slice %add3A_78 {offsets = [0, 0], sizes = [1920, 8], strides = [1, 1]} : vector<2048x8xi32> to vector<1920x8xi32>
    %concatenate3A_82 = tpu.concatenate %broadcast_in_dim3A_80, %slice3A_81 in 0 : vector<128x8xi32>, vector<1920x8xi32> -> vector<2048x8xi32>
    %add3A_83 = arith.addi %add3A_78, %concatenate3A_82 : vector<2048x8xi32>
    %broadcast_in_dim3A_84 = arith.constant 0 : i32
    %broadcast_in_dim3A_85 = vector.broadcast %broadcast_in_dim3A_84 : i32 to vector<256x8xi32>
    %slice3A_86 = vector.extract_strided_slice %add3A_83 {offsets = [0, 0], sizes = [1792, 8], strides = [1, 1]} : vector<2048x8xi32> to vector<1792x8xi32>
    %concatenate3A_87 = tpu.concatenate %broadcast_in_dim3A_85, %slice3A_86 in 0 : vector<256x8xi32>, vector<1792x8xi32> -> vector<2048x8xi32>
    %add3A_88 = arith.addi %add3A_83, %concatenate3A_87 : vector<2048x8xi32>
    %broadcast_in_dim3A_89 = arith.constant 0 : i32
    %broadcast_in_dim3A_90 = vector.broadcast %broadcast_in_dim3A_89 : i32 to vector<512x8xi32>
    %slice3A_91 = vector.extract_strided_slice %add3A_88 {offsets = [0, 0], sizes = [1536, 8], strides = [1, 1]} : vector<2048x8xi32> to vector<1536x8xi32>
    %concatenate3A_92 = tpu.concatenate %broadcast_in_dim3A_90, %slice3A_91 in 0 : vector<512x8xi32>, vector<1536x8xi32> -> vector<2048x8xi32>
    %add3A_93 = arith.addi %add3A_88, %concatenate3A_92 : vector<2048x8xi32>
    %broadcast_in_dim3A_94 = arith.constant 0 : i32
    %broadcast_in_dim3A_95 = vector.broadcast %broadcast_in_dim3A_94 : i32 to vector<1024x8xi32>
    %slice3A_96 = vector.extract_strided_slice %add3A_93 {offsets = [0, 0], sizes = [1024, 8], strides = [1, 1]} : vector<2048x8xi32> to vector<1024x8xi32>
    %concatenate3A_97 = tpu.concatenate %broadcast_in_dim3A_95, %slice3A_96 in 0 : vector<1024x8xi32>, vector<1024x8xi32> -> vector<2048x8xi32>
    %add3A_98 = arith.addi %add3A_93, %concatenate3A_97 : vector<2048x8xi32>
    %sub3A_99 = arith.subi %add3A_98, %add3A_44 : vector<2048x8xi32>
    %reduce_sum3A = arith.constant dense<0> : vector<8xi32>
    %reduce_sum3A_100 = vector.multi_reduction <add>, %add3A_44, %reduce_sum3A [0] : vector<2048x8xi32> to vector<8xi32>
    %broadcast_in_dim3A_101 = vector.shape_cast %reduce_sum3A_100 : vector<8xi32> to vector<1x8xi32>
    %broadcast_in_dim3A_102 = arith.constant 0 : i32
    %broadcast_in_dim3A_103 = vector.broadcast %broadcast_in_dim3A_102 : i32 to vector<1x1xi32>
    %slice3A_104 = vector.extract_strided_slice %broadcast_in_dim3A_101 {offsets = [0, 0], sizes = [1, 7], strides = [1, 1]} : vector<1x8xi32> to vector<1x7xi32>
    %concatenate3A_105 = tpu.concatenate %broadcast_in_dim3A_103, %slice3A_104 in 1 : vector<1x1xi32>, vector<1x7xi32> -> vector<1x8xi32>
    %broadcast_in_dim3A_106 = arith.constant 0 : i32
    %broadcast_in_dim3A_107 = vector.broadcast %broadcast_in_dim3A_106 : i32 to vector<1x1xi32>
    %slice3A_108 = vector.extract_strided_slice %concatenate3A_105 {offsets = [0, 0], sizes = [1, 7], strides = [1, 1]} : vector<1x8xi32> to vector<1x7xi32>
    %concatenate3A_109 = tpu.concatenate %broadcast_in_dim3A_107, %slice3A_108 in 1 : vector<1x1xi32>, vector<1x7xi32> -> vector<1x8xi32>
    %add3A_110 = arith.addi %concatenate3A_105, %concatenate3A_109 : vector<1x8xi32>
    %broadcast_in_dim3A_111 = arith.constant 0 : i32
    %broadcast_in_dim3A_112 = vector.broadcast %broadcast_in_dim3A_111 : i32 to vector<1x2xi32>
    %slice3A_113 = vector.extract_strided_slice %add3A_110 {offsets = [0, 0], sizes = [1, 6], strides = [1, 1]} : vector<1x8xi32> to vector<1x6xi32>
    %concatenate3A_114 = tpu.concatenate %broadcast_in_dim3A_112, %slice3A_113 in 1 : vector<1x2xi32>, vector<1x6xi32> -> vector<1x8xi32>
    %add3A_115 = arith.addi %add3A_110, %concatenate3A_114 : vector<1x8xi32>
    %broadcast_in_dim3A_116 = arith.constant 0 : i32
    %broadcast_in_dim3A_117 = vector.broadcast %broadcast_in_dim3A_116 : i32 to vector<1x4xi32>
    %slice3A_118 = vector.extract_strided_slice %add3A_115 {offsets = [0, 0], sizes = [1, 4], strides = [1, 1]} : vector<1x8xi32> to vector<1x4xi32>
    %concatenate3A_119 = tpu.concatenate %broadcast_in_dim3A_117, %slice3A_118 in 1 : vector<1x4xi32>, vector<1x4xi32> -> vector<1x8xi32>
    %add3A_120 = arith.addi %add3A_115, %concatenate3A_119 : vector<1x8xi32>
    %mul3A = arith.muli %convert_element_type3A, %sub3A_99 : vector<2048x8xi32>
    %reduce_sum3A_121 = arith.constant dense<0> : vector<2048xi32>
    %reduce_sum3A_122 = vector.multi_reduction <add>, %mul3A, %reduce_sum3A_121 [1] : vector<2048x8xi32> to vector<2048xi32>
    %broadcast_in_dim3A_123 = vector.shape_cast %reduce_sum3A_122 : vector<2048xi32> to vector<2048x1xi32>
    %add3A_124 = arith.addi %sub3A_99, %convert_element_type3A : vector<2048x8xi32>
    %mul3A_125 = arith.muli %convert_element_type3A_43, %add3A_124 : vector<2048x8xi32>
    %reduce_sum3A_126 = arith.constant dense<0> : vector<2048xi32>
    %reduce_sum3A_127 = vector.multi_reduction <add>, %mul3A_125, %reduce_sum3A_126 [1] : vector<2048x8xi32> to vector<2048xi32>
    %broadcast_in_dim3A_128 = vector.shape_cast %reduce_sum3A_127 : vector<2048xi32> to vector<2048x1xi32>
    %broadcast_in_dim3A_129 = vector.shape_cast %add3A_120 : vector<1x8xi32> to vector<1x8xi32>
    %broadcast_in_dim3A_130 = vector.broadcast %broadcast_in_dim3A_129 : vector<1x8xi32> to vector<2048x8xi32>
    %mul3A_131 = arith.muli %convert_element_type3A, %broadcast_in_dim3A_130 : vector<2048x8xi32>
    %reduce_sum3A_132 = arith.constant dense<0> : vector<2048xi32>
    %reduce_sum3A_133 = vector.multi_reduction <add>, %mul3A_131, %reduce_sum3A_132 [1] : vector<2048x8xi32> to vector<2048xi32>
    %broadcast_in_dim3A_134 = vector.shape_cast %reduce_sum3A_133 : vector<2048xi32> to vector<2048x1xi32>
    %mul3A_135 = arith.muli %convert_element_type3A_43, %broadcast_in_dim3A_130 : vector<2048x8xi32>
    %reduce_sum3A_136 = arith.constant dense<0> : vector<2048xi32>
    %reduce_sum3A_137 = vector.multi_reduction <add>, %mul3A_135, %reduce_sum3A_136 [1] : vector<2048x8xi32> to vector<2048xi32>
    %broadcast_in_dim3A_138 = vector.shape_cast %reduce_sum3A_137 : vector<2048xi32> to vector<2048x1xi32>
    %add3A_139 = arith.addi %broadcast_in_dim3A_134, %broadcast_in_dim3A_123 : vector<2048x1xi32>
    %add3A_140 = arith.addi %broadcast_in_dim3A_138, %broadcast_in_dim3A_128 : vector<2048x1xi32>
    %concatenate3A_141 = tpu.concatenate %add3A_139, %add3A_140 in 1 : vector<2048x1xi32>, vector<2048x1xi32> -> vector<2048x2xi32>
    %swap3A_142 = arith.constant 0 : index
    %swap3A_143 = arith.constant 0 : index
    %swap3A_144 = vector.load %arg4[%swap3A_142, %swap3A_143] : memref<2048x2xi32, #tpu.memory_space<vmem>>, vector<2048x2xi32>
    tpu.vector_store %arg4[%swap3A_142, %swap3A_143], %concatenate3A_141 {strides = array<i32>} : memref<2048x2xi32, #tpu.memory_space<vmem>>, vector<2048x2xi32>,
    %broadcast_in_dim3A_145 = arith.constant 4096 : i32
    %broadcast_in_dim3A_146 = vector.broadcast %broadcast_in_dim3A_145 : i32 to vector<1x1xi32>
    %broadcast_in_dim3A_147 = arith.constant 0 : i32
    %broadcast_in_dim3A_148 = vector.broadcast %broadcast_in_dim3A_147 : i32 to vector<1x7xi32>
    %concatenate3A_149 = tpu.concatenate %add3A_120, %broadcast_in_dim3A_146, %broadcast_in_dim3A_148 in 1 : vector<1x8xi32>, vector<1x1xi32>, vector<1x7xi32> -> vector<1x16xi32>
    %broadcast_in_dim3A_150 = vector.shape_cast %concatenate3A_149 : vector<1x16xi32> to vector<1x16xi32>
    %broadcast_in_dim3A_151 = vector.broadcast %broadcast_in_dim3A_150 : vector<1x16xi32> to vector<8x16xi32>
    %swap3A_152 = arith.constant 0 : index
    %swap3A_153 = arith.constant 0 : index
    %swap3A_154 = vector.load %arg5[%swap3A_152, %swap3A_153] : memref<8x16xi32, #tpu.memory_space<vmem>>, vector<8x16xi32>
    tpu.vector_store %arg5[%swap3A_152, %swap3A_153], %broadcast_in_dim3A_151 {strides = array<i32>} : memref<8x16xi32, #tpu.memory_space<vmem>>, vector<8x16xi32>,
    %broadcast_in_dim3A_155 = arith.constant 1.000000e+00 : f32
    %broadcast_in_dim3A_156 = vector.broadcast %broadcast_in_dim3A_155 : f32 to vector<2048x1xf32>
    %convert_element_type3A_157 = arith.sitofp %add3A_44 : vector<2048x8xi32> to vector<2048x8xf32>
    %dot_general3A_158 = arith.constant dense<0.000000e+00> : vector<8x1xf32>
    %dot_general3A_159 = tpu.matmul %convert_element_type3A_157, %broadcast_in_dim3A_156, %dot_general3A_158 {dimension_numbers = #tpu.dot_dimension_numbers<[0], [0], [1], [1], [0, 1, 1, 1], [], []>, precision = #tpu.contract_precision<fp32>, transpose_lhs_hint = false} : vector<2048x8xf32>, vector<2048x1xf32>, vector<8x1xf32> -> vector<8x1xf32>
    %convert_element_type3A_160 = arith.fptosi %dot_general3A_159 : vector<8x1xf32> to vector<8x1xi32>
    %broadcast_in_dim3A_161 = arith.constant 0 : i32
    %broadcast_in_dim3A_162 = vector.broadcast %broadcast_in_dim3A_161 : i32 to vector<1x1xi32>
    %slice3A_163 = vector.extract_strided_slice %convert_element_type3A_160 {offsets = [0, 0], sizes = [7, 1], strides = [1, 1]} : vector<8x1xi32> to vector<7x1xi32>
    %concatenate3A_164 = tpu.concatenate %broadcast_in_dim3A_162, %slice3A_163 in 0 : vector<1x1xi32>, vector<7x1xi32> -> vector<8x1xi32>
    %add3A_165 = arith.addi %convert_element_type3A_160, %concatenate3A_164 : vector<8x1xi32>
    %broadcast_in_dim3A_166 = arith.constant 0 : i32
    %broadcast_in_dim3A_167 = vector.broadcast %broadcast_in_dim3A_166 : i32 to vector<2x1xi32>
    %slice3A_168 = vector.extract_strided_slice %add3A_165 {offsets = [0, 0], sizes = [6, 1], strides = [1, 1]} : vector<8x1xi32> to vector<6x1xi32>
    %concatenate3A_169 = tpu.concatenate %broadcast_in_dim3A_167, %slice3A_168 in 0 : vector<2x1xi32>, vector<6x1xi32> -> vector<8x1xi32>
    %add3A_170 = arith.addi %add3A_165, %concatenate3A_169 : vector<8x1xi32>
    %broadcast_in_dim3A_171 = arith.constant 0 : i32
    %broadcast_in_dim3A_172 = vector.broadcast %broadcast_in_dim3A_171 : i32 to vector<4x1xi32>
    %slice3A_173 = vector.extract_strided_slice %add3A_170 {offsets = [0, 0], sizes = [4, 1], strides = [1, 1]} : vector<8x1xi32> to vector<4x1xi32>
    %concatenate3A_174 = tpu.concatenate %broadcast_in_dim3A_172, %slice3A_173 in 0 : vector<4x1xi32>, vector<4x1xi32> -> vector<8x1xi32>
    %add3A_175 = arith.addi %add3A_170, %concatenate3A_174 : vector<8x1xi32>
    %sub3A_176 = arith.subi %add3A_175, %convert_element_type3A_160 : vector<8x1xi32>
    %add3A_177 = arith.addi %sub3A_176, %convert_element_type3A_160 : vector<8x1xi32>
    %shift_right_arithmetic3A = arith.constant 8 : i32
    %shift_right_arithmetic3A_178 = vector.broadcast %shift_right_arithmetic3A : i32 to vector<8x1xi32>
    %shift_right_arithmetic3A_179 = arith.shrsi %sub3A_176, %shift_right_arithmetic3A_178 : vector<8x1xi32>
    %add3A_180 = arith.constant 255 : i32
    %add3A_181 = vector.broadcast %add3A_180 : i32 to vector<8x1xi32>
    %add3A_182 = arith.addi %add3A_177, %add3A_181 : vector<8x1xi32>
    %shift_right_arithmetic3A_183 = arith.constant 8 : i32
    %shift_right_arithmetic3A_184 = vector.broadcast %shift_right_arithmetic3A_183 : i32 to vector<8x1xi32>
    %shift_right_arithmetic3A_185 = arith.shrsi %add3A_182, %shift_right_arithmetic3A_184 : vector<8x1xi32>
    %gt3A = arith.constant 0 : i32
    %gt3A_186 = vector.broadcast %gt3A : i32 to vector<8x1xi32>
    %gt3A_187 = arith.cmpi sgt, %convert_element_type3A_160, %gt3A_186 : vector<8x1xi32>
    %sub3A_188 = arith.subi %shift_right_arithmetic3A_185, %shift_right_arithmetic3A_179 : vector<8x1xi32>
    %jit3A_189 = arith.constant 0 : i32
    %broadcast_in_dim3A_190 = vector.broadcast %jit3A_189 : i32 to vector<8x1xi32>
    %select_n3A_191 = arith.select %gt3A_187, %sub3A_188, %broadcast_in_dim3A_190 : vector<8x1xi1>, vector<8x1xi32>
    %broadcast_in_dim3A_192 = arith.constant 0 : i32
    %broadcast_in_dim3A_193 = vector.broadcast %broadcast_in_dim3A_192 : i32 to vector<1x1xi32>
    %slice3A_194 = vector.extract_strided_slice %select_n3A_191 {offsets = [0, 0], sizes = [7, 1], strides = [1, 1]} : vector<8x1xi32> to vector<7x1xi32>
    %concatenate3A_195 = tpu.concatenate %broadcast_in_dim3A_193, %slice3A_194 in 0 : vector<1x1xi32>, vector<7x1xi32> -> vector<8x1xi32>
    %add3A_196 = arith.addi %select_n3A_191, %concatenate3A_195 : vector<8x1xi32>
    %broadcast_in_dim3A_197 = arith.constant 0 : i32
    %broadcast_in_dim3A_198 = vector.broadcast %broadcast_in_dim3A_197 : i32 to vector<2x1xi32>
    %slice3A_199 = vector.extract_strided_slice %add3A_196 {offsets = [0, 0], sizes = [6, 1], strides = [1, 1]} : vector<8x1xi32> to vector<6x1xi32>
    %concatenate3A_200 = tpu.concatenate %broadcast_in_dim3A_198, %slice3A_199 in 0 : vector<2x1xi32>, vector<6x1xi32> -> vector<8x1xi32>
    %add3A_201 = arith.addi %add3A_196, %concatenate3A_200 : vector<8x1xi32>
    %broadcast_in_dim3A_202 = arith.constant 0 : i32
    %broadcast_in_dim3A_203 = vector.broadcast %broadcast_in_dim3A_202 : i32 to vector<4x1xi32>
    %slice3A_204 = vector.extract_strided_slice %add3A_201 {offsets = [0, 0], sizes = [4, 1], strides = [1, 1]} : vector<8x1xi32> to vector<4x1xi32>
    %concatenate3A_205 = tpu.concatenate %broadcast_in_dim3A_203, %slice3A_204 in 0 : vector<4x1xi32>, vector<4x1xi32> -> vector<8x1xi32>
    %add3A_206 = arith.addi %add3A_201, %concatenate3A_205 : vector<8x1xi32>
    %sub3A_207 = arith.subi %add3A_206, %select_n3A_191 : vector<8x1xi32>
    %iota3A_208 = tpu.iota {dimensions = array<i32: 1>} : vector<8x32xi32>
    %le3A = vector.broadcast %sub3A_207 : vector<8x1xi32> to vector<8x32xi32>
    %le3A_209 = arith.cmpi sle, %le3A, %iota3A_208 : vector<8x32xi32>
    %convert_element_type3A_210 = arith.extui %le3A_209 : vector<8x32xi1> to vector<8x32xi32>
    %slice3A_211 = vector.extract_strided_slice %convert_element_type3A_210 {offsets = [1, 0], sizes = [7, 32], strides = [1, 1]} : vector<8x32xi32> to vector<7x32xi32>
    %broadcast_in_dim3A_212 = arith.constant 0 : i32
    %broadcast_in_dim3A_213 = vector.broadcast %broadcast_in_dim3A_212 : i32 to vector<1x32xi32>
    %concatenate3A_214 = tpu.concatenate %slice3A_211, %broadcast_in_dim3A_213 in 0 : vector<7x32xi32>, vector<1x32xi32> -> vector<8x32xi32>
    %sub3A_215 = arith.subi %convert_element_type3A_210, %concatenate3A_214 : vector<8x32xi32>
    %reduce_sum3A_216 = arith.constant dense<0> : vector<32xi32>
    %reduce_sum3A_217 = vector.multi_reduction <add>, %convert_element_type3A_210, %reduce_sum3A_216 [0] : vector<8x32xi32> to vector<32xi32>
    %broadcast_in_dim3A_218 = vector.shape_cast %reduce_sum3A_217 : vector<32xi32> to vector<1x32xi32>
    %sub3A_219 = arith.constant 1 : i32
    %sub3A_220 = vector.broadcast %sub3A_219 : i32 to vector<1x32xi32>
    %sub3A_221 = arith.subi %broadcast_in_dim3A_218, %sub3A_220 : vector<1x32xi32>
    %mul3A_222 = vector.broadcast %sub3A_207 : vector<8x1xi32> to vector<8x32xi32>
    %mul3A_223 = arith.muli %sub3A_215, %mul3A_222 : vector<8x32xi32>
    %reduce_sum3A_224 = arith.constant dense<0> : vector<32xi32>
    %reduce_sum3A_225 = vector.multi_reduction <add>, %mul3A_223, %reduce_sum3A_224 [0] : vector<8x32xi32> to vector<32xi32>
    %broadcast_in_dim3A_226 = vector.shape_cast %reduce_sum3A_225 : vector<32xi32> to vector<1x32xi32>
    %mul3A_227 = vector.broadcast %shift_right_arithmetic3A_179 : vector<8x1xi32> to vector<8x32xi32>
    %mul3A_228 = arith.muli %sub3A_215, %mul3A_227 : vector<8x32xi32>
    %reduce_sum3A_229 = arith.constant dense<0> : vector<32xi32>
    %reduce_sum3A_230 = vector.multi_reduction <add>, %mul3A_228, %reduce_sum3A_229 [0] : vector<8x32xi32> to vector<32xi32>
    %broadcast_in_dim3A_231 = vector.shape_cast %reduce_sum3A_230 : vector<32xi32> to vector<1x32xi32>
    %mul3A_232 = vector.broadcast %shift_right_arithmetic3A_185 : vector<8x1xi32> to vector<8x32xi32>
    %mul3A_233 = arith.muli %sub3A_215, %mul3A_232 : vector<8x32xi32>
    %reduce_sum3A_234 = arith.constant dense<0> : vector<32xi32>
    %reduce_sum3A_235 = vector.multi_reduction <add>, %mul3A_233, %reduce_sum3A_234 [0] : vector<8x32xi32> to vector<32xi32>
    %broadcast_in_dim3A_236 = vector.shape_cast %reduce_sum3A_235 : vector<32xi32> to vector<1x32xi32>
    %iota3A_237 = tpu.iota {dimensions = array<i32: 1>} : vector<1x32xi32>
    %sub3A_238 = arith.subi %iota3A_237, %broadcast_in_dim3A_226 : vector<1x32xi32>
    %add3A_239 = arith.addi %broadcast_in_dim3A_231, %sub3A_238 : vector<1x32xi32>
    %sub3A_240 = arith.constant 1 : i32
    %sub3A_241 = vector.broadcast %sub3A_240 : i32 to vector<1x32xi32>
    %sub3A_242 = arith.subi %broadcast_in_dim3A_236, %sub3A_241 : vector<1x32xi32>
    %min3A = arith.minsi %add3A_239, %sub3A_242 : vector<1x32xi32>
    %jit3A_243 = arith.constant 0 : i32
    %jit3A_244 = arith.constant 15 : i32
    %max3A = vector.broadcast %jit3A_243 : i32 to vector<1x32xi32>
    %max3A_245 = arith.maxsi %max3A, %min3A : vector<1x32xi32>
    %min3A_246 = vector.broadcast %jit3A_244 : i32 to vector<1x32xi32>
    %min3A_247 = arith.minsi %min3A_246, %max3A_245 : vector<1x32xi32>
    %broadcast_in_dim3A_248 = vector.shape_cast %sub3A_221 : vector<1x32xi32> to vector<1x32xi32>
    %broadcast_in_dim3A_249 = vector.broadcast %broadcast_in_dim3A_248 : vector<1x32xi32> to vector<8x32xi32>
    %swap3A_250 = arith.constant 0 : index
    %swap3A_251 = arith.constant 0 : index
    %swap3A_252 = vector.load %arg6[%swap3A_250, %swap3A_251] : memref<8x32xi32, #tpu.memory_space<vmem>>, vector<8x32xi32>
    tpu.vector_store %arg6[%swap3A_250, %swap3A_251], %broadcast_in_dim3A_249 {strides = array<i32>} : memref<8x32xi32, #tpu.memory_space<vmem>>, vector<8x32xi32>,
    %broadcast_in_dim3A_253 = vector.shape_cast %min3A_247 : vector<1x32xi32> to vector<1x32xi32>
    %broadcast_in_dim3A_254 = vector.broadcast %broadcast_in_dim3A_253 : vector<1x32xi32> to vector<8x32xi32>
    %swap3A_255 = arith.constant 0 : index
    %swap3A_256 = arith.constant 0 : index
    %swap3A_257 = vector.load %arg7[%swap3A_255, %swap3A_256] : memref<8x32xi32, #tpu.memory_space<vmem>>, vector<8x32xi32>
    tpu.vector_store %arg7[%swap3A_255, %swap3A_256], %broadcast_in_dim3A_254 {strides = array<i32>} : memref<8x32xi32, #tpu.memory_space<vmem>>, vector<8x32xi32>,
    return
  }
}

module attributes {stable_mosaic.version = 14 : i64} {
  func.func @_gemm_body(%arg0: i32, %arg1: memref<16xi32, #tpu.memory_space<smem>>, %arg2: memref<32xi32, #tpu.memory_space<smem>>, %arg3: memref<32xi32, #tpu.memory_space<smem>>, %arg4: memref<4096x768xf32, #tpu.memory_space<vmem>>, %arg5: memref<1x768x768xbf16, #tpu.memory_space<vmem>>, %arg6: memref<1x768x768xbf16, #tpu.memory_space<vmem>>, %arg7: memref<1x768x768xbf16, #tpu.memory_space<vmem>>, %arg8: memref<4096x768xf32, #tpu.memory_space<vmem>>) attributes {dimension_semantics = [#tpu.dimension_semantics<arbitrary>], iteration_bounds = array<i64: 24>, scalar_prefetch = 3 : i64, scratch_operands = 0 : i64, tpu.core_type = #tpu.core_type<tc>, window_params = [{pipeline_mode = #tpu.pipeline_mode<synchronous>, transform_indices = @transform_0, window_bounds = array<i64: 4096, 768>}, {transform_indices = @transform_1, window_bounds = array<i64: 1, 768, 768>}, {transform_indices = @transform_2, window_bounds = array<i64: 1, 768, 768>}, {transform_indices = @transform_3, window_bounds = array<i64: 1, 768, 768>}, {pipeline_mode = #tpu.pipeline_mode<synchronous>, transform_indices = @transform_4, window_bounds = array<i64: 4096, 768>}]} {
    %get3A = arith.index_cast %arg0 : i32 to index
    %get3A_0 = memref.load %arg2[%get3A] : memref<32xi32, #tpu.memory_space<smem>>
    %get3A_1 = arith.index_cast %arg0 : i32 to index
    %get3A_2 = memref.load %arg3[%get3A_1] : memref<32xi32, #tpu.memory_space<smem>>
    %get3A_3 = arith.index_cast %get3A_0 : i32 to index
    %get3A_4 = memref.load %arg1[%get3A_3] : memref<16xi32, #tpu.memory_space<smem>>
    %add3A = arith.constant 1 : i32
    %add3A_5 = arith.addi %get3A_0, %add3A : i32
    %get3A_6 = arith.index_cast %add3A_5 : i32 to index
    %get3A_7 = memref.load %arg1[%get3A_6] : memref<16xi32, #tpu.memory_space<smem>>
    %mul3A = arith.constant 256 : i32
    %mul3A_8 = arith.muli %get3A_2, %mul3A : i32
    %gt3A = arith.cmpi sgt, %get3A_7, %mul3A_8 : i32
    %add3A_9 = arith.constant 256 : i32
    %add3A_10 = arith.addi %mul3A_8, %add3A_9 : i32
    %lt3A = arith.cmpi slt, %get3A_4, %add3A_10 : i32
    %and3A = arith.andi %gt3A, %lt3A : i1
    %convert_element_type3A = arith.extui %and3A : i1 to i32
    %cond3A = arith.constant 0 : i32
    %cond3A_11 = arith.cmpi ne, %convert_element_type3A, %cond3A : i32
    scf.if %cond3A_11 {
      %get3A_12 = arith.index_cast %mul3A_8 : i32 to index
      %get3A_13 = arith.constant 0 : index
      %get3A_14 = vector.load %arg4[%get3A_12, %get3A_13] : memref<4096x768xf32, #tpu.memory_space<vmem>>, vector<256x768xf32>
      %convert_element_type3A_15 = arith.truncf %get3A_14 : vector<256x768xf32> to vector<256x768xbf16>
      %get3A_16 = arith.constant 0 : index
      %get3A_17 = arith.constant 0 : index
      %get3A_18 = arith.constant 0 : index
      %get3A_19 = vector.load %arg5[%get3A_16, %get3A_17, %get3A_18] : memref<1x768x768xbf16, #tpu.memory_space<vmem>>, vector<1x768x768xbf16>
      %get3A_20 = vector.shape_cast %get3A_19 : vector<1x768x768xbf16> to vector<768x768xbf16>
      %dot_general3A = arith.constant dense<0.000000e+00> : vector<256x768xf32>
      %dot_general3A_21 = tpu.matmul %convert_element_type3A_15, %get3A_20, %dot_general3A {dimension_numbers = #tpu.dot_dimension_numbers<[1], [1], [0], [0], [0, 0, 1, 0], [], []>, transpose_lhs_hint = false} : vector<256x768xbf16>, vector<768x768xbf16>, vector<256x768xf32> -> vector<256x768xf32>
      %get3A_22 = arith.constant 0 : index
      %get3A_23 = arith.constant 0 : index
      %get3A_24 = arith.constant 0 : index
      %get3A_25 = vector.load %arg6[%get3A_22, %get3A_23, %get3A_24] : memref<1x768x768xbf16, #tpu.memory_space<vmem>>, vector<1x768x768xbf16>
      %get3A_26 = vector.shape_cast %get3A_25 : vector<1x768x768xbf16> to vector<768x768xbf16>
      %dot_general3A_27 = arith.constant dense<0.000000e+00> : vector<256x768xf32>
      %dot_general3A_28 = tpu.matmul %convert_element_type3A_15, %get3A_26, %dot_general3A_27 {dimension_numbers = #tpu.dot_dimension_numbers<[1], [1], [0], [0], [0, 0, 1, 0], [], []>, transpose_lhs_hint = false} : vector<256x768xbf16>, vector<768x768xbf16>, vector<256x768xf32> -> vector<256x768xf32>
      %neg3A = arith.constant 0.000000e+00 : f32
      %neg3A_29 = vector.broadcast %neg3A : f32 to vector<256x768xf32>
      %neg3A_30 = arith.subf %neg3A_29, %dot_general3A_21 : vector<256x768xf32>
      %exp3A = math.exp %neg3A_30 : vector<256x768xf32>
      %add3A_31 = arith.constant 1.000000e+00 : f32
      %add3A_32 = vector.broadcast %add3A_31 : f32 to vector<256x768xf32>
      %add3A_33 = arith.addf %add3A_32, %exp3A : vector<256x768xf32>
      %div3A = arith.divf %dot_general3A_21, %add3A_33 : vector<256x768xf32>
      %mul3A_34 = arith.mulf %div3A, %dot_general3A_28 : vector<256x768xf32>
      %convert_element_type3A_35 = arith.truncf %mul3A_34 : vector<256x768xf32> to vector<256x768xbf16>
      %get3A_36 = arith.constant 0 : index
      %get3A_37 = arith.constant 0 : index
      %get3A_38 = arith.constant 0 : index
      %get3A_39 = vector.load %arg7[%get3A_36, %get3A_37, %get3A_38] : memref<1x768x768xbf16, #tpu.memory_space<vmem>>, vector<1x768x768xbf16>
      %get3A_40 = vector.shape_cast %get3A_39 : vector<1x768x768xbf16> to vector<768x768xbf16>
      %dot_general3A_41 = arith.constant dense<0.000000e+00> : vector<256x768xf32>
      %dot_general3A_42 = tpu.matmul %convert_element_type3A_35, %get3A_40, %dot_general3A_41 {dimension_numbers = #tpu.dot_dimension_numbers<[1], [1], [0], [0], [0, 0, 1, 0], [], []>, transpose_lhs_hint = false} : vector<256x768xbf16>, vector<768x768xbf16>, vector<256x768xf32> -> vector<256x768xf32>
      %iota3A = tpu.iota {dimensions = array<i32: 0>} : vector<256x1xi32>
      %add3A_43 = vector.broadcast %mul3A_8 : i32 to vector<256x1xi32>
      %add3A_44 = arith.addi %add3A_43, %iota3A : vector<256x1xi32>
      %ge3A = vector.broadcast %get3A_4 : i32 to vector<256x1xi32>
      %ge3A_45 = arith.cmpi sge, %add3A_44, %ge3A : vector<256x1xi32>
      %lt3A_46 = vector.broadcast %get3A_7 : i32 to vector<256x1xi32>
      %lt3A_47 = arith.cmpi slt, %add3A_44, %lt3A_46 : vector<256x1xi32>
      %and3A_48 = arith.andi %ge3A_45, %lt3A_47 : vector<256x1xi1>
      %get3A_49 = arith.index_cast %mul3A_8 : i32 to index
      %get3A_50 = arith.constant 0 : index
      %get3A_51 = vector.load %arg8[%get3A_49, %get3A_50] : memref<4096x768xf32, #tpu.memory_space<vmem>>, vector<256x768xf32>
      %broadcast_in_dim3A = vector.shape_cast %and3A_48 : vector<256x1xi1> to vector<256x1xi1>
      %broadcast_in_dim3A_52 = vector.broadcast %broadcast_in_dim3A : vector<256x1xi1> to vector<256x768xi1>
      %select_n3A = arith.select %broadcast_in_dim3A_52, %dot_general3A_42, %get3A_51 : vector<256x768xi1>, vector<256x768xf32>
      %swap3A = arith.index_cast %mul3A_8 : i32 to index
      %swap3A_53 = arith.constant 0 : index
      %swap3A_54 = vector.load %arg8[%swap3A, %swap3A_53] : memref<4096x768xf32, #tpu.memory_space<vmem>>, vector<256x768xf32>
      tpu.vector_store %arg8[%swap3A, %swap3A_53], %select_n3A {strides = array<i32>} : memref<4096x768xf32, #tpu.memory_space<vmem>>, vector<256x768xf32>,
    } else {
    }
    return
  }
  func.func @transform_0(%arg0: i32, %arg1: memref<16xi32, #tpu.memory_space<smem>>, %arg2: memref<32xi32, #tpu.memory_space<smem>>, %arg3: memref<32xi32, #tpu.memory_space<smem>>) -> (i32, i32) {
    %c0_i32 = arith.constant 0 : i32
    %c0_i32_0 = arith.constant 0 : i32
    %c0_i32_1 = arith.constant 0 : i32
    return %c0_i32, %c0_i32_0 : i32, i32
  }
  func.func @transform_1(%arg0: i32, %arg1: memref<16xi32, #tpu.memory_space<smem>>, %arg2: memref<32xi32, #tpu.memory_space<smem>>, %arg3: memref<32xi32, #tpu.memory_space<smem>>) -> (i32, i32, i32) {
    %get3A = arith.index_cast %arg0 : i32 to index
    %get3A_0 = memref.load %arg2[%get3A] : memref<32xi32, #tpu.memory_space<smem>>
    %c0_i32 = arith.constant 0 : i32
    %c0_i32_1 = arith.constant 0 : i32
    %c0_i32_2 = arith.constant 0 : i32
    return %get3A_0, %c0_i32, %c0_i32_1 : i32, i32, i32
  }
  func.func @transform_2(%arg0: i32, %arg1: memref<16xi32, #tpu.memory_space<smem>>, %arg2: memref<32xi32, #tpu.memory_space<smem>>, %arg3: memref<32xi32, #tpu.memory_space<smem>>) -> (i32, i32, i32) {
    %get3A = arith.index_cast %arg0 : i32 to index
    %get3A_0 = memref.load %arg2[%get3A] : memref<32xi32, #tpu.memory_space<smem>>
    %c0_i32 = arith.constant 0 : i32
    %c0_i32_1 = arith.constant 0 : i32
    %c0_i32_2 = arith.constant 0 : i32
    return %get3A_0, %c0_i32, %c0_i32_1 : i32, i32, i32
  }
  func.func @transform_3(%arg0: i32, %arg1: memref<16xi32, #tpu.memory_space<smem>>, %arg2: memref<32xi32, #tpu.memory_space<smem>>, %arg3: memref<32xi32, #tpu.memory_space<smem>>) -> (i32, i32, i32) {
    %get3A = arith.index_cast %arg0 : i32 to index
    %get3A_0 = memref.load %arg2[%get3A] : memref<32xi32, #tpu.memory_space<smem>>
    %c0_i32 = arith.constant 0 : i32
    %c0_i32_1 = arith.constant 0 : i32
    %c0_i32_2 = arith.constant 0 : i32
    return %get3A_0, %c0_i32, %c0_i32_1 : i32, i32, i32
  }
  func.func @transform_4(%arg0: i32, %arg1: memref<16xi32, #tpu.memory_space<smem>>, %arg2: memref<32xi32, #tpu.memory_space<smem>>, %arg3: memref<32xi32, #tpu.memory_space<smem>>) -> (i32, i32) {
    %c0_i32 = arith.constant 0 : i32
    %c0_i32_0 = arith.constant 0 : i32
    %c0_i32_1 = arith.constant 0 : i32
    return %c0_i32, %c0_i32_0 : i32, i32
  }
}

module attributes {stable_mosaic.version = 14 : i64} {
  func.func @_combine_body(%arg0: memref<2048x1536xf32, #tpu.memory_space<vmem>>, %arg1: memref<2048x2xf32, #tpu.memory_space<vmem>>, %arg2: memref<2048x768xf32, #tpu.memory_space<vmem>>) attributes {dimension_semantics = [], scalar_prefetch = 0 : i64, scratch_operands = 0 : i64, tpu.core_type = #tpu.core_type<tc>} {
    %get3A = arith.constant 0 : index
    %get3A_0 = arith.constant 0 : index
    %get3A_1 = vector.load %arg0[%get3A, %get3A_0] : memref<2048x1536xf32, #tpu.memory_space<vmem>>, vector<2048x1536xf32>
    %get3A_2 = arith.constant 0 : index
    %get3A_3 = arith.constant 0 : index
    %get3A_4 = vector.load %arg1[%get3A_2, %get3A_3] : memref<2048x2xf32, #tpu.memory_space<vmem>>, vector<2048x1xf32>
    %get3A_5 = arith.constant 0 : index
    %get3A_6 = arith.constant 1 : index
    %get3A_7 = vector.load %arg1[%get3A_5, %get3A_6] : memref<2048x2xf32, #tpu.memory_space<vmem>>, vector<2048x1xf32>
    %slice3A = vector.extract_strided_slice %get3A_1 {offsets = [0, 0], sizes = [2048, 768], strides = [1, 1]} : vector<2048x1536xf32> to vector<2048x768xf32>
    %mul3A = vector.broadcast %get3A_4 : vector<2048x1xf32> to vector<2048x768xf32>
    %mul3A_8 = arith.mulf %slice3A, %mul3A : vector<2048x768xf32>
    %slice3A_9 = vector.extract_strided_slice %get3A_1 {offsets = [0, 768], sizes = [2048, 768], strides = [1, 1]} : vector<2048x1536xf32> to vector<2048x768xf32>
    %mul3A_10 = vector.broadcast %get3A_7 : vector<2048x1xf32> to vector<2048x768xf32>
    %mul3A_11 = arith.mulf %slice3A_9, %mul3A_10 : vector<2048x768xf32>
    %add3A = arith.addf %mul3A_8, %mul3A_11 : vector<2048x768xf32>
    %swap3A = arith.constant 0 : index
    %swap3A_12 = arith.constant 0 : index
    %swap3A_13 = vector.load %arg2[%swap3A, %swap3A_12] : memref<2048x768xf32, #tpu.memory_space<vmem>>, vector<2048x768xf32>
    tpu.vector_store %arg2[%swap3A, %swap3A_12], %add3A {strides = array<i32>} : memref<2048x768xf32, #tpu.memory_space<vmem>>, vector<2048x768xf32>,
    return
  }
}

</mosaic_0001>

<sc_bundles>
// kernel: kernel.10.cloned.1.call-start
scs
__scs_entry_jumppad:
0x0: {  	(pc) =	sbr.rel $0x88, $3  }
0x1: {  	(tag) =	ssettag $0x0;
	lr =	simm.s32 $0x1  }
0x2: {  	[smem:$0x3F9C] =	sst lr;
	_ =	strace $0xD0000000  }
0x3: {  	_ = 	snop  }
0x4: {  	_ = 	snop  }
0x5: {  	_ = 	snop  }
0x6: {  	_ = 	snop  }
0x7: {  	_ = 	snop  }
__scs_overlays_trampoline_lowered:
0x8: {  	[smem:$0x3FAB] =	sst s0  }
0x9: {  	[smem:$0x3FAC] =	sst s1  }
0xa: {  	[smem:$0x3FAD] =	sst s2  }
0xb: {  	[smem:$0x3FAE] =	sst s3  }
0xc: {  	[smem:$0x3FAF] =	sst s4  }
0xd: {  	[smem:$0x3FB0] =	sst s5  }
0xe: {  	[smem:$0x3FB1] =	sst s6  }
0xf: {  	[smem:$0x3FB2] =	sst s7  }
0x10: {  	[smem:$0x3FB3] =	sst s8  }
0x11: {  	[smem:$0x3FB4] =	sst s9;
	s0 =	simm.s32 @!p0 $0x0  }
0x12: {  	s1 =	sld [smem:$0x3F9A];
	s0 =	simm.s32 @p0 $0x1  }
0x13: {  	[smem:$0x3FB5] =	sst s0;
	s0 =	simm.s32 @!p1 $0x0  }
0x14: {  	s2 =	sld [smem:$0x3F99];
	s0 =	simm.s32 @p1 $0x1  }
0x15: {  	[smem:$0x3FB6] =	sst s0;
	s0 =	simm.s32 @!p2 $0x0  }
0x16: {  	s3 =	sld [smem:$0x3FDB];
	s0 =	simm.s32 @p2 $0x1  }
0x17: {  	s4 =	simm.s32 $0x1BF5;
	[smem:$0x3FB8] =	sst s0  }
0x18: {  	s0 =	sld [smem:$0x3F9B];
	_ =	swait.ge [sflag:s4], $0x0  }
0x19: {  	s7 =	sld [smem:$0x3F9C]  }
0x1a: {  	s8 =	sadd.s32 $0xFFFFE003, lr  }
0x1b: {  	s9 =	sadd.s32 $0xFFFFFEF7, lr;
	s5 =	simm.s32 $0xFFFFFFFF;
	p2 =	slt.u32 s8, $0xFFFFF086  }
0x1c: {  	p1 =	slt.u32 s9, $0xF7A;
	s5 =	simm.s32 @!p2 $0x0  }
0x1d: {  	s5 =	simm.s32 @p1 $0x1;
	p0 =	seq.s32 s7, s2  }
0x1e: {  	s7 =	smul.u32 @!p0 $0xF7A, s2;
	p2 =	seq.s32 @!p0 s5, $0x0  }
0x1f: {  	s9 =	smul.u32 $0xF7A, s1;
	s8 =	simm.s32 @!p0 $0x1BF5;
	p2 =	por !p2, p0  }
0x20: {  	[sflag:s8] =	ssyncset.s32 @!p0 $0xFFFFF086;
	s6 =	sadd.s32 @!p0 s3, s7;
	s7 =	simm.s32 @!p0 $0x108  }
0x21: {  	s3 =	sadd.s32 s3, s9;
	s6 =	sadd.s32 @!p0 $0x88, s6;
	s7 =	simm.s32 @p2 $0x1082  }
0x22: {  	[simem:s7], [sflag:s8] =	dma.local @!p0 [hbm:s6], $0xF7A  }
0x23: {  	s9 =	sor.u32 $0xD0000000, s2;
	s6 =	simm.s32 $0x108;
	_ =	swait.ge @!p0 [sflag:s8], $0x0  }
0x24: {  	s3 =	sadd.s32 $0x88, s3;
	s6 =	simm.s32 @!p1 $0x1082;
	[sflag:s4] =	ssyncset.s32 $0xFFFFF086  }
0x25: {  	[simem:s6], [sflag:s4] =	dma.local [hbm:s3], $0xF7A  }
0x26: {  	[smem:$0x3F9C] =	sst s1;
	(tag) =	ssettag s2;
	_ =	strace s9  }
0x27: {  	s1 =	sld [smem:$0x3FAC]  }
0x28: {  	s2 =	sld [smem:$0x3FAD]  }
0x29: {  	s4 =	sld [smem:$0x3FAF]  }
0x2a: {  	p0 =	seq.s32 s5, $0x0;
	s5 =	sld [smem:$0x3FB0]  }
0x2b: {  	s6 =	sld [smem:$0x3FB1]  }
0x2c: {  	s7 =	sld [smem:$0x3FB2]  }
0x2d: {  	s3 =	simm.s32 $0x108;
	s8 =	sld [smem:$0x3FB3]  }
0x2e: {  	s3 =	simm.s32 @!p0 $0x1082;
	s9 =	sld [smem:$0x3FB4]  }
0x2f: {  	lr =	sadd.s32 s0, s3;
	s0 =	sld [smem:$0x3FAB]  }
0x30: {  	s3 =	sld [smem:$0x3FAE]  }
0x31: {  	[smem:$0x3FB7] =	sst s10  }
0x32: {  	s10 =	sld [smem:$0x3FB5];
	_ =	sdelay $0x3  }
0x33: {  	p0 =	seq.s32 s10, $0x1;
	s10 =	sld [smem:$0x3FB7];
	_ =	sdelay $0x3  }
0x34: {  	[smem:$0x3FB7] =	sst s10  }
0x35: {  	s10 =	sld [smem:$0x3FB6];
	_ =	sdelay $0x3  }
0x36: {  	p1 =	seq.s32 s10, $0x1;
	s10 =	sld [smem:$0x3FB7];
	_ =	sdelay $0x3  }
0x37: {  	[smem:$0x3FB7] =	sst s10  }
0x38: {  	s10 =	sld [smem:$0x3FB8]  }
0x39: {  	_ = 	snop;
	(pc) =	sbr.ind lr, $3  }
0x3a: {  	_ = 	snop  }
0x3b: {  	_ = 	snop  }
0x3c: {  	p2 =	seq.s32 s10, $0x1;
	s10 =	sld [smem:$0x3FB7]  }
0x3d: {  	_ =	shalt  }
0x3e: {  	_ =	shalt  }
0x3f: {  	_ =	shalt  }
0x40: {  	_ =	shalt  }
0x41: {  	_ =	shalt  }
0x42: {  	_ =	shalt  }
0x43: {  	_ =	shalt  }
0x44: {  	_ =	shalt  }
0x45: {  	_ =	shalt  }
0x46: {  	_ =	shalt  }
0x47: {  	_ =	shalt  }
0x48: {  	_ =	shalt  }
0x49: {  	_ =	shalt  }
0x4a: {  	_ =	shalt  }
0x4b: {  	_ =	shalt  }
0x4c: {  	_ =	shalt  }
0x4d: {  	_ =	shalt  }
0x4e: {  	_ =	shalt  }
0x4f: {  	_ =	shalt  }
0x50: {  	_ =	shalt  }
0x51: {  	_ =	shalt  }
0x52: {  	_ =	shalt  }
0x53: {  	_ =	shalt  }
0x54: {  	_ =	shalt  }
0x55: {  	_ =	shalt  }
0x56: {  	_ =	shalt  }
0x57: {  	_ =	shalt  }
0x58: {  	_ =	shalt  }
0x59: {  	_ =	shalt  }
0x5a: {  	_ =	shalt  }
0x5b: {  	_ =	shalt  }
0x5c: {  	_ =	shalt  }
0x5d: {  	_ =	shalt  }
0x5e: {  	_ =	shalt  }
0x5f: {  	_ =	shalt  }
0x60: {  	_ =	shalt  }
0x61: {  	_ =	shalt  }
0x62: {  	_ =	shalt  }
0x63: {  	_ =	shalt  }
0x64: {  	_ =	shalt  }
0x65: {  	_ =	shalt  }
0x66: {  	_ =	shalt  }
0x67: {  	_ =	shalt  }
0x68: {  	_ =	shalt  }
0x69: {  	_ =	shalt  }
0x6a: {  	_ =	shalt  }
0x6b: {  	_ =	shalt  }
0x6c: {  	_ =	shalt  }
0x6d: {  	_ =	shalt  }
0x6e: {  	_ =	shalt  }
0x6f: {  	_ =	shalt  }
0x70: {  	_ =	shalt  }
0x71: {  	_ =	shalt  }
0x72: {  	_ =	shalt  }
0x73: {  	_ =	shalt  }
0x74: {  	_ =	shalt  }
0x75: {  	_ =	shalt  }
0x76: {  	_ =	shalt  }
0x77: {  	_ =	shalt  }
0x78: {  	_ =	shalt  }
0x79: {  	_ =	shalt  }
0x7a: {  	_ =	shalt  }
0x7b: {  	_ =	shalt  }
0x7c: {  	_ =	shalt  }
0x7d: {  	_ =	shalt  }
0x7e: {  	_ =	shalt  }
0x7f: {  	_ =	shalt  }
0x80: {  	_ =	shalt  }
0x81: {  	_ =	shalt  }
0x82: {  	_ =	shalt  }
0x83: {  	_ =	shalt  }
0x84: {  	_ =	shalt  }
0x85: {  	_ =	shalt  }
0x86: {  	_ =	shalt  }
0x87: {  	_ =	shalt  }
.Lfunc_end0:
.L_simem_size_0:
called_computation.1_lowered:
.L_overlay_start_0:
0x88: {  	s2 =	sld [smem:$0x3FD9]  }
0x89: {  	s3 =	sld [smem:$0x3FFE];
	_ =	sdelay $0x1  }
0x8a: {  	s1 =	srdreg.scid  }
0x8b: {  	s0 =	sand.u32 $0x1, s1  }
0x8c: {  	s14 =	sshll.u32 s0, $0xA;
	s2 =	sadd.s32 s3, s2  }
0x8d: {  	s2 =	sadd.s32 s2, s14  }
0x8e: {  	[smem:$0x3FC3] =	sst s2  }
0x8f: {  	_ = 	snop  }
0x90: {  	s2 =	sld [smem:$0x3FD0];
	_ =	sdelay $0x2  }
0x91: {  	s15 =	simm.s32 $0xA;
	s4 =	simm.s32 $0x10  }
0x92: {  	[smem:s4], [sflag:s15] =	dma.local [hbm:s2], $0x1  }
0x93: {  	_ =	swait.eq [sflag:s15], $0x1  }
0x94: {  	[sflag:s15] =	ssyncset.done $0x0  }
0x95: {  	[sflag:s15] =	ssyncadd.s32 $0xFFFFFFFF  }
0x96: {  	s16 =	sld [smem:$0x10];
	(tm) =	ssettm $0x1  }
0x97: {  	s17 =	sld [smem:$0x3FFB];
	_ =	sdelay $0x3  }
0x98: {  	_ =	strace s17  }
0x99: {  	s3 =	sld [smem:$0x3FFC];
	_ =	sdelay $0x3  }
0x9a: {  	_ =	strace s3  }
0x9b: {  	s3 =	sld [smem:$0x3FFD];
	_ =	sdelay $0x3  }
0x9c: {  	_ =	strace s3  }
0x9d: {  	_ =	strace $0x8FFFFFFF  }
0x9e: {  	s18 =	sld [smem:$0x3FDB];
	_ =	sdelay $0x1  }
0x9f: {  	s19 =	simm.s32 $_scs_section_size  }
0xa0: {  	s5 =	simm.s32 $_size__tile_overlayer_lowered;
	s6 =	simm.s32 $_tile_overlayer_lowered  }
0xa1: {  	s22 =	simm.s32 $0x1BFF;
	s21 =	sshll.u32 s6, $0x1;
	s3 =	sadd.s32 s19, s18  }
0xa2: {  	s7 =	simm.s32 $0x0;
	s20 =	sshll.u32 s5, $0x1;
	s5 =	sadd.s32 s21, s3  }
0xa3: {  	[timem:s7], [sflag:s22] =	dma.local [hbm:s5], s20  }
0xa4: {  	_ =	swait.ge [sflag:s22], s20  }
0xa5: {  	s4 =	ssub.s32 $0x0, s20;
	[sflag:s22] =	ssyncset.done $0x0  }
0xa6: {  	[sflag:s22] =	ssyncadd.s32 s4;
	_ =	sdelay $0x1  }
0xa7: {  	s23 =	simm.s32 $0x1B8B  }
0xa8: {  	_ =	swait.ge [sflag:s23], $0x1  }
0xa9: {  	[sflag:s23] =	ssyncset.done $0x0  }
0xaa: {  	s25 =	simm.s32 $0x1B8E;
	s24 =	sld [smem:$0x3FFE];
	[sflag:s23] =	ssyncadd.s32 $0xFFFFFFFF  }
0xab: {  	s26 =	simm.s32 $execute0_lowered;
	[smem:$0x3FD2] =	sst s25  }
0xac: {  	s5 =	sshll.u32 s26, $0x1;
	_ =	strace $0x80000049;
	[dreg:$0x1] =	wrdreg $0xFFFFFFFF  }
0xad: {  	s28 =	simm.s32 $_size_execute0_lowered;
	s3 =	sadd.s32 s3, s5;
	[dreg:$0x0] =	wrdreg $0x0  }
0xae: {  	s5 =	sshll.u32 s28, $0x1;
	[dreg:$0x2] =	wrdreg s3  }
0xaf: {  	[dreg:$0x3] =	wrdreg s5  }
0xb0: {  	[dreg:$0x4] =	wrdreg $0xC0  }
0xb1: {  	_ =	task [dreg:s7], $0x5FFFF  }
0xb2: {  	[dreg:$0x1] =	wrdreg $0xFFFFFFFF  }
0xb3: {  	[dreg:$0x0] =	wrdreg $0x60  }
0xb4: {  	[dreg:$0x2] =	wrdreg s24  }
0xb5: {  	[dreg:$0x3] =	wrdreg s16  }
0xb6: {  	[dreg:$0x4] =	wrdreg $0x9  }
0xb7: {  	_ =	task.clear_ibuf [dreg:s7], $0x5FFFF;
	_ =	strace $0x90000049  }
0xb8: {  	s29 =	simm.s32 $0x9;
	_ =	strace $0x8000004B  }
0xb9: {  	_ =	swait.ge [sflag:s29], $0x1  }
0xba: {  	[sflag:s29] =	ssyncadd.s32 $0xFFFFFFFF  }
0xbb: {  	_ =	strace $0x9000004B  }
0xbc: {  	_ =	sfence  }
0xbd: {  	s30 =	sld [smem:$0x0];
	_ =	sdelay $0x2  }
0xbe: {  	s31 =	sshll.u32 s1, $0xD;
	s1 =	sshrl.u32 s1, $0x2  }
0xbf: {  	s3 =	sand.u32 $0x4000, s31;
	s1 =	sadd.s32 s1, s30  }
0xc0: {  	s0 =	sor.u32 s3, s0;
	s1 =	sshll.u32 s1, $0x11  }
0xc1: {  	s0 =	sor.u32 s1, s0  }
0xc2: {  	s0 =	sadd.s32 $0x8F2B, s0  }
0xc3: {  	[sflag:s0] =	ssyncadd.remote.s32 $0x1  }
0xc4: {  	_ =	sfence.sel $0xFFFF  }
0xc5: {  	[dreg:$0x0] =	wrdreg $0xFFFFFFFF;
	(pc) =	sbr.abs _section_cstart, $3  }
0xc6: {  	[dreg:$0x1] =	wrdreg $0xFFFFFFFF  }
0xc7: {  	_ =	task.clear_ibuf [dreg:s7], $0x2FFFF;
	_ =	strace $0x9FFFFFFF  }
0xc8: {  	(tm) =	ssettm $0x7FFFFFFF  }
0xc9: {  	_ =	shalt  }
tec
execute0_lowered:
.L_overlay_start_1:
0x0: {  	(tag) =	ssettag $0x1  }
0x1: {  	s1 =	srdreg.scid  }
0x2: {  	s0 =	stileid.u32;
	s1 =	sand.u32 $0x1, s1  }
0x3: {  	s5 =	rddreg [dreg:$0x0];
	s2 =	sshll.u32 s0, $0x5;
	s3 =	sshll.u32 s1, $0x4  }
0x4: {  	s4 =	rddreg [dreg:$0x1];
	s3 =	sor.u32 s3, s2;
	s2 =	simm.s32 $0x0  }
0x5: {  	s6 =	smul.u32 $0x300, s3;
	[smem:$0x7FF] =	sst s2;
	s3 =	sadd.s32 s4, s3  }
0x6: {  	s25 =	simm.s32 $0x880;
	_ =	strace $0x8000004A;
	[dreg:$0x3] =	wrdreg s3  }
0x7: {  	s26 =	simm.s32 $0x1080;
	[dreg:$0x5] =	wrdreg s25  }
0x8: {  	s0 =	simm.s32 $0x1880;
	[dreg:$0x6] =	wrdreg s26  }
0x9: {  	s4 =	simm.s32 $0x2080;
	[dreg:$0x7] =	wrdreg s0  }
0xa: {  	s7 =	simm.s32 $0x3080;
	[dreg:$0x8] =	wrdreg s4  }
0xb: {  	s8 =	simm.s32 $0x3880;
	[dreg:$0xa] =	wrdreg s7  }
0xc: {  	s9 =	simm.s32 $0x4080;
	[dreg:$0xb] =	wrdreg s8  }
0xd: {  	s10 =	simm.s32 $0x4880;
	[dreg:$0xc] =	wrdreg s9  }
0xe: {  	s11 =	simm.s32 $0x5080;
	[dreg:$0xd] =	wrdreg s10  }
0xf: {  	s12 =	simm.s32 $0x5880;
	[dreg:$0xe] =	wrdreg s11  }
0x10: {  	s13 =	simm.s32 $0x6080;
	[dreg:$0xf] =	wrdreg s12  }
0x11: {  	s14 =	simm.s32 $0x6880;
	s15 =	simm.s32 $0x7080;
	[dreg:$0x10] =	wrdreg s13  }
0x12: {  	s16 =	simm.s32 $0x7880;
	s17 =	simm.s32 $0x8080;
	[dreg:$0x11] =	wrdreg s14  }
0x13: {  	s18 =	simm.s32 $0x8880;
	s19 =	simm.s32 $0x9080;
	[dreg:$0x12] =	wrdreg s15  }
0x14: {  	s21 =	simm.s32 $0x9880;
	s22 =	simm.s32 $0xA080;
	[dreg:$0x13] =	wrdreg s16  }
0x15: {  	s23 =	simm.s32 $0xA880;
	s28 =	simm.s32 $0x16080;
	[dreg:$0x14] =	wrdreg s17  }
0x16: {  	s29 =	simm.s32 $0x16880;
	s1 =	ssub.s32 $0x2, s1;
	[dreg:$0x15] =	wrdreg s18  }
0x17: {  	s30 =	simm.s32 $0x17080;
	s20 =	sshrl.u32 s1, $0x1;
	[dreg:$0x16] =	wrdreg s19  }
0x18: {  	s31 =	simm.s32 $0x17880;
	s1 =	ssub.s32 s1, s20;
	[dreg:$0x17] =	wrdreg s21  }
0x19: {  	s20 =	simm.s32 $0x12880;
	s3 =	sadd.s32 $0xAA400, s5;
	[dreg:$0x18] =	wrdreg s22  }
0x1a: {  	s4 =	sadd.s32 $0xAA500, s5;
	[dreg:$0x19] =	wrdreg s23;
	s7 =	simm.s32 $0xB080  }
0x1b: {  	s25 =	simm.s32 $0xC080;
	s8 =	simm.s32 $0x80;
	s26 =	simm.s32 $0xC880  }
0x1c: {  	s10 =	simm.s32 $0xD880;
	s11 =	simm.s32 $0xE080;
	s12 =	simm.s32 $0xE880  }
0x1d: {  	s13 =	simm.s32 $0xF080;
	s14 =	simm.s32 $0xF880;
	s15 =	simm.s32 $0x10080  }
0x1e: {  	s16 =	simm.s32 $0x10880;
	s17 =	simm.s32 $0x11080;
	s18 =	simm.s32 $0x11880  }
0x1f: {  	s19 =	simm.s32 $0x12080;
	s21 =	simm.s32 $0x13080;
	s22 =	simm.s32 $0x13880  }
0x20: {  	s23 =	simm.s32 $0x14080;
	s6 =	sadd.s32 s6, s5;
	[dreg:$0x1a] =	wrdreg s7  }
0x21: {  	s5 =	sadd.s32 $0xAA600, s5;
	s7 =	simm.s32 $0x2;
	[dreg:$0x1c] =	wrdreg s25  }
0x22: {  	[dreg:$0x1d] =	wrdreg s26;
	s25 =	simm.s32 $0x15080;
	s24 =	sadd.s32 $0x2400, s6  }
0x23: {  	v2 =	vlaneseq.u32;
	s26 =	simm.s32 $0x15880;
	s6 =	simm.s32 $0x2880;
	[dreg:$0x4] =	wrdreg s24  }
0x24: {  	vm0 =	vmmov $0xffff;
	v1 =	vshrl.u32 v2, $0x3;
	[dreg:$0x9] =	wrdreg s6;
	s6 =	smax.u32 s1, $0x1;
	s24 =	simm.s32 $0xB880  }
0x25: {  	v0 =	vand.u32 $0x7, v2;
	v2 =	vor.u32 $0x8, v2;
	v1 =	vmul.u32 $0x8, v1;
	s1 =	simm.s32 $0x1;
	[dreg:$0x1b] =	wrdreg s24;
	s24 =	simm.s32 $0x14880  }
.LBB2_1:
0x26: {  	s0 =	rddreg [dreg:$0x3]  }
0x27: {  	[tilespmem:s2], [sflag:$0x2] =	stream.linear.gather [hbm4b:s0+s2], $0x80, $0x38;
	[tilespmem:$0x18080] =	vst v63  }
0x28: {  	_ =	swait.ge [sflag:s7], $0x80  }
0x29: {  	[sflag:s7] =	ssyncset.done $0x0  }
0x2a: {  	[sflag:s7] =	ssyncadd.s32 $0xFFFFFF80  }
0x2b: {  	v3 =	vld [tilespmem:$0x0];
	_ =	sdelay $0x4  }
0x2c: {  	v4 =	vshrl.u32 v3, $0x3  }
0x2d: {  	v4 =	vmul.u32 $0x30, v4  }
0x2e: {  	v3 =	vand.u32 $0x7, v3  }
0x2f: {  	v3 =	vor.u32 v3, v4  }
0x30: {  	v4 =	vperm.xlane v3, v0;
	_ =	sdelay $0x1  }
0x31: {  	v4 =	vadd.s32 v1, v4;
	_ =	sdelay $0x3  }
0x32: {  	v3 =	vperm.xlane v3, v2  }
0x33: {  	[tilespmem:s8], [sflag:$0x1] =	stream.indirect_vreg.gather [hbm4b:s3+s2], $0x80, v4, vm0, $0xb8;
	[tilespmem:$0x18080] =	vst v63  }
0x34: {  	s0 =	rddreg [dreg:$0x5];
	v3 =	vadd.s32 v1, v3  }
0x35: {  	[tilespmem:s0], [sflag:$0x1] =	stream.indirect_vreg.gather [hbm4b:s4+s2], $0x80, v4, vm0, $0xb8;
	[tilespmem:$0x18080] =	vst v63  }
0x36: {  	s9 =	rddreg [dreg:$0x6]  }
0x37: {  	[tilespmem:s9], [sflag:$0x1] =	stream.indirect_vreg.gather [hbm4b:s5+s2], $0x80, v4, vm0, $0xb8;
	[tilespmem:$0x18080] =	vst v63  }
0x38: {  	s0 =	rddreg [dreg:$0x7]  }
0x39: {  	[tilespmem:s0], [sflag:$0x1] =	stream.indirect_vreg.gather [hbm4b:s3+s2], $0x80, v3, vm0, $0xb8;
	[tilespmem:$0x18080] =	vst v63  }
0x3a: {  	s9 =	rddreg [dreg:$0x8]  }
0x3b: {  	[tilespmem:s9], [sflag:$0x1] =	stream.indirect_vreg.gather [hbm4b:s4+s2], $0x80, v3, vm0, $0xb8;
	[tilespmem:$0x18080] =	vst v63  }
0x3c: {  	s0 =	rddreg [dreg:$0x9]  }
0x3d: {  	[tilespmem:s0], [sflag:$0x1] =	stream.indirect_vreg.gather [hbm4b:s5+s2], $0x80, v3, vm0, $0xb8;
	[tilespmem:$0x18080] =	vst v63  }
0x3e: {  	v3 =	vld [tilespmem:$0x10];
	_ =	sdelay $0x4  }
0x3f: {  	v57 =	vshrl.u32 v3, $0x3  }
0x40: {  	v4 =	vmul.u32 $0x30, v57  }
0x41: {  	v3 =	vand.u32 $0x7, v3  }
0x42: {  	v3 =	vor.u32 v3, v4  }
0x43: {  	v4 =	vperm.xlane v3, v0;
	_ =	sdelay $0x1  }
0x44: {  	v4 =	vadd.s32 v1, v4;
	_ =	sdelay $0x3  }
0x45: {  	s0 =	rddreg [dreg:$0xa];
	v3 =	vperm.xlane v3, v2  }
0x46: {  	[tilespmem:s0], [sflag:$0x1] =	stream.indirect_vreg.gather [hbm4b:s3+s2], $0x80, v4, vm0, $0xb8;
	[tilespmem:$0x18080] =	vst v63  }
0x47: {  	s9 =	rddreg [dreg:$0xb];
	v3 =	vadd.s32 v1, v3  }
0x48: {  	[tilespmem:s9], [sflag:$0x1] =	stream.indirect_vreg.gather [hbm4b:s4+s2], $0x80, v4, vm0, $0xb8;
	[tilespmem:$0x18080] =	vst v63  }
0x49: {  	s0 =	rddreg [dreg:$0xc]  }
0x4a: {  	[tilespmem:s0], [sflag:$0x1] =	stream.indirect_vreg.gather [hbm4b:s5+s2], $0x80, v4, vm0, $0xb8;
	[tilespmem:$0x18080] =	vst v63  }
0x4b: {  	s9 =	rddreg [dreg:$0xd]  }
0x4c: {  	[tilespmem:s9], [sflag:$0x1] =	stream.indirect_vreg.gather [hbm4b:s3+s2], $0x80, v3, vm0, $0xb8;
	[tilespmem:$0x18080] =	vst v63  }
0x4d: {  	s0 =	rddreg [dreg:$0xe]  }
0x4e: {  	[tilespmem:s0], [sflag:$0x1] =	stream.indirect_vreg.gather [hbm4b:s4+s2], $0x80, v3, vm0, $0xb8;
	[tilespmem:$0x18080] =	vst v63  }
0x4f: {  	s9 =	rddreg [dreg:$0xf]  }
0x50: {  	[tilespmem:s9], [sflag:$0x1] =	stream.indirect_vreg.gather [hbm4b:s5+s2], $0x80, v3, vm0, $0xb8;
	[tilespmem:$0x18080] =	vst v63  }
0x51: {  	v3 =	vld [tilespmem:$0x20];
	_ =	sdelay $0x4  }
0x52: {  	v58 =	vshrl.u32 v3, $0x3  }
0x53: {  	v4 =	vmul.u32 $0x30, v58  }
0x54: {  	v3 =	vand.u32 $0x7, v3  }
0x55: {  	v3 =	vor.u32 v3, v4  }
0x56: {  	v4 =	vperm.xlane v3, v0;
	_ =	sdelay $0x1  }
0x57: {  	v4 =	vadd.s32 v1, v4;
	_ =	sdelay $0x3  }
0x58: {  	s0 =	rddreg [dreg:$0x10];
	v3 =	vperm.xlane v3, v2  }
0x59: {  	[tilespmem:s0], [sflag:$0x1] =	stream.indirect_vreg.gather [hbm4b:s3+s2], $0x80, v4, vm0, $0xb8;
	[tilespmem:$0x18080] =	vst v63  }
0x5a: {  	s9 =	rddreg [dreg:$0x11];
	v3 =	vadd.s32 v1, v3  }
0x5b: {  	[tilespmem:s9], [sflag:$0x1] =	stream.indirect_vreg.gather [hbm4b:s4+s2], $0x80, v4, vm0, $0xb8;
	[tilespmem:$0x18080] =	vst v63  }
0x5c: {  	s0 =	rddreg [dreg:$0x12]  }
0x5d: {  	[tilespmem:s0], [sflag:$0x1] =	stream.indirect_vreg.gather [hbm4b:s5+s2], $0x80, v4, vm0, $0xb8;
	[tilespmem:$0x18080] =	vst v63  }
0x5e: {  	s9 =	rddreg [dreg:$0x13]  }
0x5f: {  	[tilespmem:s9], [sflag:$0x1] =	stream.indirect_vreg.gather [hbm4b:s3+s2], $0x80, v3, vm0, $0xb8;
	[tilespmem:$0x18080] =	vst v63  }
0x60: {  	s0 =	rddreg [dreg:$0x14]  }
0x61: {  	[tilespmem:s0], [sflag:$0x1] =	stream.indirect_vreg.gather [hbm4b:s4+s2], $0x80, v3, vm0, $0xb8;
	[tilespmem:$0x18080] =	vst v63  }
0x62: {  	s9 =	rddreg [dreg:$0x15]  }
0x63: {  	[tilespmem:s9], [sflag:$0x1] =	stream.indirect_vreg.gather [hbm4b:s5+s2], $0x80, v3, vm0, $0xb8;
	[tilespmem:$0x18080] =	vst v63  }
0x64: {  	v3 =	vld [tilespmem:$0x30];
	_ =	sdelay $0x4  }
0x65: {  	v59 =	vshrl.u32 v3, $0x3  }
0x66: {  	v4 =	vmul.u32 $0x30, v59  }
0x67: {  	v3 =	vand.u32 $0x7, v3  }
0x68: {  	v3 =	vor.u32 v3, v4  }
0x69: {  	v4 =	vperm.xlane v3, v0;
	_ =	sdelay $0x1  }
0x6a: {  	v4 =	vadd.s32 v1, v4;
	_ =	sdelay $0x3  }
0x6b: {  	s0 =	rddreg [dreg:$0x16];
	v3 =	vperm.xlane v3, v2  }
0x6c: {  	[tilespmem:s0], [sflag:$0x1] =	stream.indirect_vreg.gather [hbm4b:s3+s2], $0x80, v4, vm0, $0xb8;
	[tilespmem:$0x18080] =	vst v63  }
0x6d: {  	s9 =	rddreg [dreg:$0x17];
	v3 =	vadd.s32 v1, v3  }
0x6e: {  	[tilespmem:s9], [sflag:$0x1] =	stream.indirect_vreg.gather [hbm4b:s4+s2], $0x80, v4, vm0, $0xb8;
	[tilespmem:$0x18080] =	vst v63  }
0x6f: {  	s0 =	rddreg [dreg:$0x18]  }
0x70: {  	[tilespmem:s0], [sflag:$0x1] =	stream.indirect_vreg.gather [hbm4b:s5+s2], $0x80, v4, vm0, $0xb8;
	[tilespmem:$0x18080] =	vst v63  }
0x71: {  	s9 =	rddreg [dreg:$0x19]  }
0x72: {  	[tilespmem:s9], [sflag:$0x1] =	stream.indirect_vreg.gather [hbm4b:s3+s2], $0x80, v3, vm0, $0xb8;
	[tilespmem:$0x18080] =	vst v63  }
0x73: {  	s0 =	rddreg [dreg:$0x1a]  }
0x74: {  	[tilespmem:s0], [sflag:$0x1] =	stream.indirect_vreg.gather [hbm4b:s4+s2], $0x80, v3, vm0, $0xb8;
	[tilespmem:$0x18080] =	vst v63  }
0x75: {  	s9 =	rddreg [dreg:$0x1b]  }
0x76: {  	[tilespmem:s9], [sflag:$0x1] =	stream.indirect_vreg.gather [hbm4b:s5+s2], $0x80, v3, vm0, $0xb8;
	[tilespmem:$0x18080] =	vst v63  }
0x77: {  	v3 =	vld [tilespmem:$0x40];
	_ =	sdelay $0x4  }
0x78: {  	v60 =	vshrl.u32 v3, $0x3  }
0x79: {  	v4 =	vmul.u32 $0x30, v60  }
0x7a: {  	v3 =	vand.u32 $0x7, v3  }
0x7b: {  	v3 =	vor.u32 v3, v4  }
0x7c: {  	v4 =	vperm.xlane v3, v0;
	_ =	sdelay $0x1  }
0x7d: {  	v4 =	vadd.s32 v1, v4;
	_ =	sdelay $0x3  }
0x7e: {  	s0 =	rddreg [dreg:$0x1c];
	v3 =	vperm.xlane v3, v2  }
0x7f: {  	[tilespmem:s0], [sflag:$0x1] =	stream.indirect_vreg.gather [hbm4b:s3+s2], $0x80, v4, vm0, $0xb8;
	[tilespmem:$0x18080] =	vst v63  }
0x80: {  	s9 =	rddreg [dreg:$0x1d];
	v3 =	vadd.s32 v1, v3  }
0x81: {  	[tilespmem:s9], [sflag:$0x1] =	stream.indirect_vreg.gather [hbm4b:s4+s2], $0x80, v4, vm0, $0xb8;
	[tilespmem:$0x18080] =	vst v63  }
0x82: {  	s9 =	simm.s32 $0xD080  }
0x83: {  	[tilespmem:s9], [sflag:$0x1] =	stream.indirect_vreg.gather [hbm4b:s5+s2], $0x80, v4, vm0, $0xb8;
	[tilespmem:$0x18080] =	vst v63  }
0x84: {  	_ = 	snop  }
0x85: {  	[tilespmem:s10], [sflag:$0x1] =	stream.indirect_vreg.gather [hbm4b:s3+s2], $0x80, v3, vm0, $0xb8;
	[tilespmem:$0x18080] =	vst v63  }
0x86: {  	_ = 	snop  }
0x87: {  	[tilespmem:s11], [sflag:$0x1] =	stream.indirect_vreg.gather [hbm4b:s4+s2], $0x80, v3, vm0, $0xb8;
	[tilespmem:$0x18080] =	vst v63  }
0x88: {  	_ = 	snop  }
0x89: {  	[tilespmem:s12], [sflag:$0x1] =	stream.indirect_vreg.gather [hbm4b:s5+s2], $0x80, v3, vm0, $0xb8;
	[tilespmem:$0x18080] =	vst v63  }
0x8a: {  	v3 =	vld [tilespmem:$0x50];
	_ =	sdelay $0x4  }
0x8b: {  	v61 =	vshrl.u32 v3, $0x3  }
0x8c: {  	v4 =	vmul.u32 $0x30, v61  }
0x8d: {  	v3 =	vand.u32 $0x7, v3  }
0x8e: {  	v3 =	vor.u32 v3, v4  }
0x8f: {  	v4 =	vperm.xlane v3, v0;
	_ =	sdelay $0x1  }
0x90: {  	v4 =	vadd.s32 v1, v4;
	_ =	sdelay $0x3  }
0x91: {  	v3 =	vperm.xlane v3, v2  }
0x92: {  	[tilespmem:s13], [sflag:$0x1] =	stream.indirect_vreg.gather [hbm4b:s3+s2], $0x80, v4, vm0, $0xb8;
	[tilespmem:$0x18080] =	vst v63  }
0x93: {  	v3 =	vadd.s32 v1, v3  }
0x94: {  	[tilespmem:s14], [sflag:$0x1] =	stream.indirect_vreg.gather [hbm4b:s4+s2], $0x80, v4, vm0, $0xb8;
	[tilespmem:$0x18080] =	vst v63  }
0x95: {  	_ = 	snop  }
0x96: {  	[tilespmem:s15], [sflag:$0x1] =	stream.indirect_vreg.gather [hbm4b:s5+s2], $0x80, v4, vm0, $0xb8;
	[tilespmem:$0x18080] =	vst v63  }
0x97: {  	_ = 	snop  }
0x98: {  	[tilespmem:s16], [sflag:$0x1] =	stream.indirect_vreg.gather [hbm4b:s3+s2], $0x80, v3, vm0, $0xb8;
	[tilespmem:$0x18080] =	vst v63  }
0x99: {  	_ = 	snop  }
0x9a: {  	[tilespmem:s17], [sflag:$0x1] =	stream.indirect_vreg.gather [hbm4b:s4+s2], $0x80, v3, vm0, $0xb8;
	[tilespmem:$0x18080] =	vst v63  }
0x9b: {  	_ = 	snop  }
0x9c: {  	[tilespmem:s18], [sflag:$0x1] =	stream.indirect_vreg.gather [hbm4b:s5+s2], $0x80, v3, vm0, $0xb8;
	[tilespmem:$0x18080] =	vst v63  }
0x9d: {  	v3 =	vld [tilespmem:$0x60];
	_ =	sdelay $0x4  }
0x9e: {  	v62 =	vshrl.u32 v3, $0x3  }
0x9f: {  	v4 =	vmul.u32 $0x30, v62  }
0xa0: {  	v3 =	vand.u32 $0x7, v3  }
0xa1: {  	v3 =	vor.u32 v3, v4  }
0xa2: {  	v4 =	vperm.xlane v3, v0;
	_ =	sdelay $0x1  }
0xa3: {  	v4 =	vadd.s32 v1, v4;
	_ =	sdelay $0x3  }
0xa4: {  	v3 =	vperm.xlane v3, v2  }
0xa5: {  	[tilespmem:s19], [sflag:$0x1] =	stream.indirect_vreg.gather [hbm4b:s3+s2], $0x80, v4, vm0, $0xb8;
	[tilespmem:$0x18080] =	vst v63  }
0xa6: {  	v3 =	vadd.s32 v1, v3  }
0xa7: {  	[tilespmem:s20], [sflag:$0x1] =	stream.indirect_vreg.gather [hbm4b:s4+s2], $0x80, v4, vm0, $0xb8;
	[tilespmem:$0x18080] =	vst v63  }
0xa8: {  	_ = 	snop  }
0xa9: {  	[tilespmem:s21], [sflag:$0x1] =	stream.indirect_vreg.gather [hbm4b:s5+s2], $0x80, v4, vm0, $0xb8;
	[tilespmem:$0x18080] =	vst v63  }
0xaa: {  	_ = 	snop  }
0xab: {  	[tilespmem:s22], [sflag:$0x1] =	stream.indirect_vreg.gather [hbm4b:s3+s2], $0x80, v3, vm0, $0xb8;
	[tilespmem:$0x18080] =	vst v63  }
0xac: {  	_ = 	snop  }
0xad: {  	[tilespmem:s23], [sflag:$0x1] =	stream.indirect_vreg.gather [hbm4b:s4+s2], $0x80, v3, vm0, $0xb8;
	[tilespmem:$0x18080] =	vst v63  }
0xae: {  	_ = 	snop  }
0xaf: {  	[tilespmem:s24], [sflag:$0x1] =	stream.indirect_vreg.gather [hbm4b:s5+s2], $0x80, v3, vm0, $0xb8;
	[tilespmem:$0x18080] =	vst v63  }
0xb0: {  	v3 =	vld [tilespmem:$0x70];
	_ =	sdelay $0x4  }
0xb1: {  	v63 =	vshrl.u32 v3, $0x3  }
0xb2: {  	v4 =	vmul.u32 $0x30, v63  }
0xb3: {  	v3 =	vand.u32 $0x7, v3  }
0xb4: {  	v3 =	vor.u32 v3, v4  }
0xb5: {  	v4 =	vperm.xlane v3, v0;
	_ =	sdelay $0x1  }
0xb6: {  	v4 =	vadd.s32 v1, v4;
	_ =	sdelay $0x3  }
0xb7: {  	v3 =	vperm.xlane v3, v2  }
0xb8: {  	[tilespmem:s25], [sflag:$0x1] =	stream.indirect_vreg.gather [hbm4b:s3+s2], $0x80, v4, vm0, $0xb8;
	[tilespmem:$0x18080] =	vst v63  }
0xb9: {  	v3 =	vadd.s32 v1, v3  }
0xba: {  	[tilespmem:s26], [sflag:$0x1] =	stream.indirect_vreg.gather [hbm4b:s4+s2], $0x80, v4, vm0, $0xb8;
	[tilespmem:$0x18080] =	vst v63  }
0xbb: {  	_ = 	snop  }
0xbc: {  	[tilespmem:s28], [sflag:$0x1] =	stream.indirect_vreg.gather [hbm4b:s5+s2], $0x80, v4, vm0, $0xb8;
	[tilespmem:$0x18080] =	vst v63  }
0xbd: {  	_ = 	snop  }
0xbe: {  	[tilespmem:s29], [sflag:$0x1] =	stream.indirect_vreg.gather [hbm4b:s3+s2], $0x80, v3, vm0, $0xb8;
	[tilespmem:$0x18080] =	vst v63  }
0xbf: {  	_ = 	snop  }
0xc0: {  	[tilespmem:s30], [sflag:$0x1] =	stream.indirect_vreg.gather [hbm4b:s4+s2], $0x80, v3, vm0, $0xb8;
	[tilespmem:$0x18080] =	vst v63  }
0xc1: {  	_ = 	snop  }
0xc2: {  	[tilespmem:s31], [sflag:$0x1] =	stream.indirect_vreg.gather [hbm4b:s5+s2], $0x80, v3, vm0, $0xb8;
	[tilespmem:$0x18080] =	vst v63  }
0xc3: {  	_ =	swait.ge [sflag:s1], $0x18000  }
0xc4: {  	p0 =	sne.s32 s6, $0x1;
	[sflag:s1] =	ssyncset.done $0x0  }
.Ltmp0:
0xc5: {  	s9 =	rddreg [dreg:$0x4];
	[sflag:s1] =	ssyncadd.s32 $0xFFFE8000;
	(pc) =	sbr.rel @p0 .LBB2_1-.Ltmp0, $4  }
0xc6: {  	[hbm4b:s9+s2] =	stream.linear.scatter [tilespmem:s8], [sflag:$0x2], $0x18000, $0x38;
	[tilespmem:$0x18080] =	vst v63  }
0xc7: {  	_ =	swait.ge [sflag:s7], $0x18000  }
0xc8: {  	[sflag:s7] =	ssyncset.done $0x0  }
0xc9: {  	s6 =	sadd.s32 $0xFFFFFFFF, s6;
	[sflag:s7] =	ssyncadd.s32 $0xFFFE8000  }
0xca: {  	_ =	sfence.sel $0x180000  }
0xcb: {  	[bflag:$0x0] =	sbarrier.arrive $0xFFFF  }
0xcc: {  	_ =	strace $0x9000004A  }
0xcd: {  	s0 =	stileid.u32;
	[bflag:$0x2] =	sbarrier.arrive $0xFFFF  }
0xce: {  	p0 =	sne.s32 s0, $0x0;
	s0 =	rddreg [dreg:$0x2]  }
0xcf: {  	s0 =	sadd.s32 @!p0 $0x100000, s0  }
0xd0: {  	[sflag:s0] =	ssyncadd.tile.s32 @!p0 $0x1;
	_ =	shalt  }
.Lfunc_end2:
_tile_overlayer_lowered:
.L_overlay_start_2:
0xd1: {  	(tag) =	ssettag $0x2  }
0xd2: {  	s0 =	rddreg [dreg:$0x0];
	s2 =	stileid.u32  }
0xd3: {  	s1 =	rddreg [dreg:$0x1];
	p0 =	sne.s32 s2, $0x0  }
0xd4: {  	s3 =	rddreg [dreg:$0x2];
	[bflag:$0x3] =	sbarrier.arrive $0xFFFF;
	s2 =	simm.s32 @!p0 $0x1C02  }
0xd5: {  	[timem:s3], [sflag:s2] =	dma.local @!p0 [hbm:s0], s1  }
0xd6: {  	s0 =	simm.s32 @!p0 $0x2  }
0xd7: {  	_ =	swait.ge @!p0 [sflag:s0], s1  }
0xd8: {  	s1 =	ssub.s32 @!p0 $0x0, s1;
	[sflag:s0] =	ssyncset.done @!p0 $0x0  }
0xd9: {  	[sflag:s0] =	ssyncadd.s32 @!p0 s1  }
0xda: {  	[bflag:$0x3] =	sbarrier.arrive $0xFFFF  }
0xdb: {  	_ =	shalt  }

// kernel: kernel.7.cloned.1.call-start
scs
__scs_entry_jumppad:
0x0: {  	(pc) =	sbr.rel $0x88, $3  }
0x1: {  	(tag) =	ssettag $0x0;
	lr =	simm.s32 $0x1  }
0x2: {  	[smem:$0x3F9C] =	sst lr;
	_ =	strace $0xD0000000  }
0x3: {  	_ = 	snop  }
0x4: {  	_ = 	snop  }
0x5: {  	_ = 	snop  }
0x6: {  	_ = 	snop  }
0x7: {  	_ = 	snop  }
__scs_overlays_trampoline_lowered:
0x8: {  	[smem:$0x3FAB] =	sst s0  }
0x9: {  	[smem:$0x3FAC] =	sst s1  }
0xa: {  	[smem:$0x3FAD] =	sst s2  }
0xb: {  	[smem:$0x3FAE] =	sst s3  }
0xc: {  	[smem:$0x3FAF] =	sst s4  }
0xd: {  	[smem:$0x3FB0] =	sst s5  }
0xe: {  	[smem:$0x3FB1] =	sst s6  }
0xf: {  	[smem:$0x3FB2] =	sst s7  }
0x10: {  	[smem:$0x3FB3] =	sst s8  }
0x11: {  	[smem:$0x3FB4] =	sst s9;
	s0 =	simm.s32 @!p0 $0x0  }
0x12: {  	s1 =	sld [smem:$0x3F9A];
	s0 =	simm.s32 @p0 $0x1  }
0x13: {  	[smem:$0x3FB5] =	sst s0;
	s0 =	simm.s32 @!p1 $0x0  }
0x14: {  	s2 =	sld [smem:$0x3F99];
	s0 =	simm.s32 @p1 $0x1  }
0x15: {  	[smem:$0x3FB6] =	sst s0;
	s0 =	simm.s32 @!p2 $0x0  }
0x16: {  	s3 =	sld [smem:$0x3FDB];
	s0 =	simm.s32 @p2 $0x1  }
0x17: {  	s4 =	simm.s32 $0x1BF5;
	[smem:$0x3FB8] =	sst s0  }
0x18: {  	s0 =	sld [smem:$0x3F9B];
	_ =	swait.ge [sflag:s4], $0x0  }
0x19: {  	s7 =	sld [smem:$0x3F9C]  }
0x1a: {  	s8 =	sadd.s32 $0xFFFFE003, lr  }
0x1b: {  	s9 =	sadd.s32 $0xFFFFFEF7, lr;
	s5 =	simm.s32 $0xFFFFFFFF;
	p2 =	slt.u32 s8, $0xFFFFF086  }
0x1c: {  	p1 =	slt.u32 s9, $0xF7A;
	s5 =	simm.s32 @!p2 $0x0  }
0x1d: {  	s5 =	simm.s32 @p1 $0x1;
	p0 =	seq.s32 s7, s2  }
0x1e: {  	s7 =	smul.u32 @!p0 $0xF7A, s2;
	p2 =	seq.s32 @!p0 s5, $0x0  }
0x1f: {  	s9 =	smul.u32 $0xF7A, s1;
	s8 =	simm.s32 @!p0 $0x1BF5;
	p2 =	por !p2, p0  }
0x20: {  	[sflag:s8] =	ssyncset.s32 @!p0 $0xFFFFF086;
	s6 =	sadd.s32 @!p0 s3, s7;
	s7 =	simm.s32 @!p0 $0x108  }
0x21: {  	s3 =	sadd.s32 s3, s9;
	s6 =	sadd.s32 @!p0 $0x88, s6;
	s7 =	simm.s32 @p2 $0x1082  }
0x22: {  	[simem:s7], [sflag:s8] =	dma.local @!p0 [hbm:s6], $0xF7A  }
0x23: {  	s9 =	sor.u32 $0xD0000000, s2;
	s6 =	simm.s32 $0x108;
	_ =	swait.ge @!p0 [sflag:s8], $0x0  }
0x24: {  	s3 =	sadd.s32 $0x88, s3;
	s6 =	simm.s32 @!p1 $0x1082;
	[sflag:s4] =	ssyncset.s32 $0xFFFFF086  }
0x25: {  	[simem:s6], [sflag:s4] =	dma.local [hbm:s3], $0xF7A  }
0x26: {  	[smem:$0x3F9C] =	sst s1;
	(tag) =	ssettag s2;
	_ =	strace s9  }
0x27: {  	s1 =	sld [smem:$0x3FAC]  }
0x28: {  	s2 =	sld [smem:$0x3FAD]  }
0x29: {  	s4 =	sld [smem:$0x3FAF]  }
0x2a: {  	p0 =	seq.s32 s5, $0x0;
	s5 =	sld [smem:$0x3FB0]  }
0x2b: {  	s6 =	sld [smem:$0x3FB1]  }
0x2c: {  	s7 =	sld [smem:$0x3FB2]  }
0x2d: {  	s3 =	simm.s32 $0x108;
	s8 =	sld [smem:$0x3FB3]  }
0x2e: {  	s3 =	simm.s32 @!p0 $0x1082;
	s9 =	sld [smem:$0x3FB4]  }
0x2f: {  	lr =	sadd.s32 s0, s3;
	s0 =	sld [smem:$0x3FAB]  }
0x30: {  	s3 =	sld [smem:$0x3FAE]  }
0x31: {  	[smem:$0x3FB7] =	sst s10  }
0x32: {  	s10 =	sld [smem:$0x3FB5];
	_ =	sdelay $0x3  }
0x33: {  	p0 =	seq.s32 s10, $0x1;
	s10 =	sld [smem:$0x3FB7];
	_ =	sdelay $0x3  }
0x34: {  	[smem:$0x3FB7] =	sst s10  }
0x35: {  	s10 =	sld [smem:$0x3FB6];
	_ =	sdelay $0x3  }
0x36: {  	p1 =	seq.s32 s10, $0x1;
	s10 =	sld [smem:$0x3FB7];
	_ =	sdelay $0x3  }
0x37: {  	[smem:$0x3FB7] =	sst s10  }
0x38: {  	s10 =	sld [smem:$0x3FB8]  }
0x39: {  	_ = 	snop;
	(pc) =	sbr.ind lr, $3  }
0x3a: {  	_ = 	snop  }
0x3b: {  	_ = 	snop  }
0x3c: {  	p2 =	seq.s32 s10, $0x1;
	s10 =	sld [smem:$0x3FB7]  }
0x3d: {  	_ =	shalt  }
0x3e: {  	_ =	shalt  }
0x3f: {  	_ =	shalt  }
0x40: {  	_ =	shalt  }
0x41: {  	_ =	shalt  }
0x42: {  	_ =	shalt  }
0x43: {  	_ =	shalt  }
0x44: {  	_ =	shalt  }
0x45: {  	_ =	shalt  }
0x46: {  	_ =	shalt  }
0x47: {  	_ =	shalt  }
0x48: {  	_ =	shalt  }
0x49: {  	_ =	shalt  }
0x4a: {  	_ =	shalt  }
0x4b: {  	_ =	shalt  }
0x4c: {  	_ =	shalt  }
0x4d: {  	_ =	shalt  }
0x4e: {  	_ =	shalt  }
0x4f: {  	_ =	shalt  }
0x50: {  	_ =	shalt  }
0x51: {  	_ =	shalt  }
0x52: {  	_ =	shalt  }
0x53: {  	_ =	shalt  }
0x54: {  	_ =	shalt  }
0x55: {  	_ =	shalt  }
0x56: {  	_ =	shalt  }
0x57: {  	_ =	shalt  }
0x58: {  	_ =	shalt  }
0x59: {  	_ =	shalt  }
0x5a: {  	_ =	shalt  }
0x5b: {  	_ =	shalt  }
0x5c: {  	_ =	shalt  }
0x5d: {  	_ =	shalt  }
0x5e: {  	_ =	shalt  }
0x5f: {  	_ =	shalt  }
0x60: {  	_ =	shalt  }
0x61: {  	_ =	shalt  }
0x62: {  	_ =	shalt  }
0x63: {  	_ =	shalt  }
0x64: {  	_ =	shalt  }
0x65: {  	_ =	shalt  }
0x66: {  	_ =	shalt  }
0x67: {  	_ =	shalt  }
0x68: {  	_ =	shalt  }
0x69: {  	_ =	shalt  }
0x6a: {  	_ =	shalt  }
0x6b: {  	_ =	shalt  }
0x6c: {  	_ =	shalt  }
0x6d: {  	_ =	shalt  }
0x6e: {  	_ =	shalt  }
0x6f: {  	_ =	shalt  }
0x70: {  	_ =	shalt  }
0x71: {  	_ =	shalt  }
0x72: {  	_ =	shalt  }
0x73: {  	_ =	shalt  }
0x74: {  	_ =	shalt  }
0x75: {  	_ =	shalt  }
0x76: {  	_ =	shalt  }
0x77: {  	_ =	shalt  }
0x78: {  	_ =	shalt  }
0x79: {  	_ =	shalt  }
0x7a: {  	_ =	shalt  }
0x7b: {  	_ =	shalt  }
0x7c: {  	_ =	shalt  }
0x7d: {  	_ =	shalt  }
0x7e: {  	_ =	shalt  }
0x7f: {  	_ =	shalt  }
0x80: {  	_ =	shalt  }
0x81: {  	_ =	shalt  }
0x82: {  	_ =	shalt  }
0x83: {  	_ =	shalt  }
0x84: {  	_ =	shalt  }
0x85: {  	_ =	shalt  }
0x86: {  	_ =	shalt  }
0x87: {  	_ =	shalt  }
.Lfunc_end0:
.L_simem_size_0:
called_computation_lowered:
.L_overlay_start_0:
0x88: {  	s2 =	sld [smem:$0x3FD9]  }
0x89: {  	s3 =	sld [smem:$0x3FFE];
	_ =	sdelay $0x1  }
0x8a: {  	s1 =	srdreg.scid  }
0x8b: {  	s0 =	sand.u32 $0x1, s1  }
0x8c: {  	s14 =	sshll.u32 s0, $0xA;
	s2 =	sadd.s32 s3, s2  }
0x8d: {  	s2 =	sadd.s32 s2, s14  }
0x8e: {  	[smem:$0x3FC3] =	sst s2  }
0x8f: {  	_ = 	snop  }
0x90: {  	s2 =	sld [smem:$0x3FD0];
	_ =	sdelay $0x2  }
0x91: {  	s4 =	simm.s32 $0xA;
	s5 =	simm.s32 $0x10;
	s15 =	sld [smem:$0x3FC9]  }
0x92: {  	[smem:s5], [sflag:s4] =	dma.local [hbm:s2], $0x1  }
0x93: {  	_ =	swait.eq [sflag:s4], $0x1  }
0x94: {  	[sflag:s4] =	ssyncset.done $0x0  }
0x95: {  	[sflag:s4] =	ssyncadd.s32 $0xFFFFFFFF  }
0x96: {  	s16 =	sld [smem:$0x10];
	(tm) =	ssettm $0x1  }
0x97: {  	s17 =	sld [smem:$0x3FFB];
	_ =	sdelay $0x3  }
0x98: {  	_ =	strace s17  }
0x99: {  	s4 =	sld [smem:$0x3FFC];
	_ =	sdelay $0x3  }
0x9a: {  	_ =	strace s4  }
0x9b: {  	s4 =	sld [smem:$0x3FFD];
	_ =	sdelay $0x3  }
0x9c: {  	_ =	strace s4  }
0x9d: {  	_ =	strace $0x8FFFFFFF  }
0x9e: {  	s18 =	sld [smem:$0x3FDB];
	_ =	sdelay $0x1  }
0x9f: {  	s19 =	simm.s32 $_scs_section_size  }
0xa0: {  	s6 =	simm.s32 $_size__tile_overlayer_lowered;
	s7 =	simm.s32 $_tile_overlayer_lowered  }
0xa1: {  	s22 =	simm.s32 $0x1BFF;
	s21 =	sshll.u32 s7, $0x1;
	s4 =	sadd.s32 s19, s18  }
0xa2: {  	s8 =	simm.s32 $0x0;
	s20 =	sshll.u32 s6, $0x1;
	s6 =	sadd.s32 s21, s4  }
0xa3: {  	[timem:s8], [sflag:s22] =	dma.local [hbm:s6], s20  }
0xa4: {  	_ =	swait.ge [sflag:s22], s20  }
0xa5: {  	s5 =	ssub.s32 $0x0, s20;
	[sflag:s22] =	ssyncset.done $0x0  }
0xa6: {  	[sflag:s22] =	ssyncadd.s32 s5;
	_ =	sdelay $0x1  }
0xa7: {  	s23 =	simm.s32 $0x1B8B  }
0xa8: {  	_ =	swait.ge [sflag:s23], $0x1  }
0xa9: {  	[sflag:s23] =	ssyncset.done $0x0  }
0xaa: {  	s25 =	simm.s32 $0x1B8E;
	s24 =	sld [smem:$0x3FFE];
	[sflag:s23] =	ssyncadd.s32 $0xFFFFFFFF  }
0xab: {  	s26 =	simm.s32 $execute0_lowered;
	[smem:$0x3FD2] =	sst s25  }
0xac: {  	s6 =	sshll.u32 s26, $0x1;
	_ =	strace $0x80000046;
	[dreg:$0x1] =	wrdreg $0xFFFFFFFF  }
0xad: {  	s28 =	simm.s32 $_size_execute0_lowered;
	s4 =	sadd.s32 s4, s6;
	[dreg:$0x0] =	wrdreg $0x0  }
0xae: {  	s6 =	sshll.u32 s28, $0x1;
	[dreg:$0x2] =	wrdreg s4  }
0xaf: {  	[dreg:$0x3] =	wrdreg s6  }
0xb0: {  	[dreg:$0x4] =	wrdreg $0xC0  }
0xb1: {  	_ =	task [dreg:s8], $0x5FFFF  }
0xb2: {  	[dreg:$0x1] =	wrdreg $0xFFFFFFFF  }
0xb3: {  	[dreg:$0x0] =	wrdreg $0x60  }
0xb4: {  	[dreg:$0x2] =	wrdreg s15  }
0xb5: {  	[dreg:$0x3] =	wrdreg s16  }
0xb6: {  	[dreg:$0x4] =	wrdreg s24  }
0xb7: {  	[dreg:$0x5] =	wrdreg $0x9  }
0xb8: {  	_ =	task.clear_ibuf [dreg:s8], $0x6FFFF;
	_ =	strace $0x90000046  }
0xb9: {  	s29 =	simm.s32 $0x9;
	_ =	strace $0x80000048  }
0xba: {  	_ =	swait.ge [sflag:s29], $0x1  }
0xbb: {  	[sflag:s29] =	ssyncadd.s32 $0xFFFFFFFF  }
0xbc: {  	_ =	strace $0x90000048  }
0xbd: {  	_ =	sfence  }
0xbe: {  	s30 =	sld [smem:$0x0];
	_ =	sdelay $0x2  }
0xbf: {  	s31 =	sshll.u32 s1, $0xD;
	s1 =	sshrl.u32 s1, $0x2  }
0xc0: {  	s3 =	sand.u32 $0x4000, s31;
	s1 =	sadd.s32 s1, s30  }
0xc1: {  	s0 =	sor.u32 s3, s0;
	s1 =	sshll.u32 s1, $0x11  }
0xc2: {  	s0 =	sor.u32 s1, s0  }
0xc3: {  	s0 =	sadd.s32 $0x8F2B, s0  }
0xc4: {  	[sflag:s0] =	ssyncadd.remote.s32 $0x1  }
0xc5: {  	_ =	sfence.sel $0xFFFF  }
0xc6: {  	[dreg:$0x0] =	wrdreg $0xFFFFFFFF;
	(pc) =	sbr.abs _section_cstart, $3  }
0xc7: {  	[dreg:$0x1] =	wrdreg $0xFFFFFFFF  }
0xc8: {  	_ =	task.clear_ibuf [dreg:s8], $0x2FFFF;
	_ =	strace $0x9FFFFFFF  }
0xc9: {  	(tm) =	ssettm $0x7FFFFFFF  }
tec
execute0_lowered:
.L_overlay_start_1:
0x0: {  	(tag) =	ssettag $0x1  }
0x1: {  	s1 =	rddreg [dreg:$0x0]  }
0x2: {  	s0 =	rddreg [dreg:$0x1]  }
0x3: {  	s2 =	rddreg [dreg:$0x2]  }
0x4: {  	s3 =	srdreg.scid;
	s5 =	stileid.u32;
	s18 =	simm.s32 $0x1100  }
0x5: {  	s19 =	simm.s32 $0x1900;
	s20 =	simm.s32 $0x2100;
	s21 =	simm.s32 $0x2900  }
0x6: {  	s22 =	simm.s32 $0x3100;
	s23 =	simm.s32 $0x3900;
	s4 =	sand.u32 $0x1, s3  }
0x7: {  	s28 =	simm.s32 $0x5900;
	s5 =	sshll.u32 s5, $0x8;
	s6 =	sshll.u32 s4, $0x7  }
0x8: {  	s29 =	simm.s32 $0x6100;
	s30 =	simm.s32 $0x6900;
	s11 =	sor.u32 s6, s5  }
0x9: {  	v6 =	vlaneseq.u32;
	s31 =	simm.s32 $0x7100;
	s10 =	simm.s32 $0xA900;
	s25 =	sor.u32 $0x10, s11  }
0xa: {  	s26 =	sor.u32 $0x20, s11;
	s12 =	sor.u32 $0x30, s11;
	s13 =	sor.u32 $0x40, s11;
	v0 =	vmov s11;
	v1 =	vor.u32 s11, v6;
	v2 =	vor.u32 s25, v6  }
0xb: {  	s3 =	simm.s32 $0x0;
	s14 =	sor.u32 $0x50, s11;
	s15 =	sor.u32 $0x60, s11;
	v3 =	vor.u32 s26, v6;
	v4 =	vor.u32 s12, v6;
	v5 =	vor.u32 s13, v6  }
0xc: {  	s8 =	sadd.s32 $0x2600, s2;
	[smem:$0x7FF] =	sst s3;
	s17 =	sor.u32 $0x70, s11;
	v8 =	vor.u32 s14, v6;
	v9 =	vor.u32 s15, v6;
	v7 =	vshrl.u32 v0, $0x4  }
0xd: {  	s7 =	ssub.s32 $0x2, s4;
	s4 =	sadd.s32 $0x2400, s2;
	_ =	strace $0x80000047;
	v10 =	vor.u32 s17, v6;
	v0 =	vshrl.u32 v1, $0x1;
	v7 =	vmul.u32 $0x30, v7  }
0xe: {  	s24 =	sshrl.u32 s7, $0x1;
	s5 =	sadd.s32 $0x100, s1;
	s6 =	sshrl.u32 s11, $0x3;
	v1 =	vshrl.u32 v2, $0x1;
	v2 =	vshrl.u32 v3, $0x1;
	v11 =	vand.u32 $0x7, v0  }
0xf: {  	s9 =	ssub.s32 s7, s24;
	s7 =	sadd.s32 $0x2500, s2;
	s24 =	simm.s32 $0x4100;
	v3 =	vshrl.u32 v4, $0x1;
	v4 =	vshrl.u32 v5, $0x1;
	v5 =	vand.u32 $0x7, v6  }
0x10: {  	s11 =	simm.s32 $0x8900;
	s0 =	sadd.s32 s0, s6;
	s6 =	sadd.s32 $0x200, s1;
	v11 =	vor.u32 v11, v7;
	v7 =	vshrl.u32 v6, $0x3;
	v6 =	vor.u32 $0x8, v6  }
0x11: {  	s9 =	smax.u32 s9, $0x1;
	s15 =	simm.s32 $0x1;
	s17 =	simm.s32 $0x900;
	v12 =	vperm.xlane v11, v5;
	v7 =	vmul.u32 $0x8, v7;
	v13 =	vperm.xlane v11, v6  }
0x12: {  	vm0 =	vmmov $0xffff;
	s25 =	simm.s32 $0x4900;
	s26 =	simm.s32 $0x5100;
	s12 =	simm.s32 $0x9100;
	v8 =	vshrl.u32 v8, $0x1;
	v9 =	vshrl.u32 v9, $0x1  }
0x13: {  	s13 =	simm.s32 $0x9900;
	s14 =	simm.s32 $0xA100;
	[dreg:$0x4] =	wrdreg s0;
	v10 =	vshrl.u32 v10, $0x1;
	v11 =	vadd.s32 v7, v12;
	v12 =	vadd.s32 v7, v13  }
.LBB2_1:
0x14: {  	s16 =	rddreg [dreg:$0x4];
	s0 =	simm.s32 $0x2  }
0x15: {  	[tilespmem:s3], [sflag:$0x2] =	stream.linear.gather [hbm4b:s16+s3], $0x80, $0x38;
	[tilespmem:$0x18100] =	vst v63  }
0x16: {  	_ =	swait.ge [sflag:s0], $0x80  }
0x17: {  	[sflag:s0] =	ssyncset.done $0x0  }
0x18: {  	[sflag:s0] =	ssyncadd.s32 $0xFFFFFF80  }
0x19: {  	[tilespmem:$0x80] =	vst v0  }
0x1a: {  	[tilespmem:$0x90] =	vst v1  }
0x1b: {  	[tilespmem:$0xA0] =	vst v2  }
0x1c: {  	[tilespmem:$0xB0] =	vst v3  }
0x1d: {  	[tilespmem:$0xC0] =	vst v4  }
0x1e: {  	[tilespmem:$0xD0] =	vst v8  }
0x1f: {  	[tilespmem:$0xE0] =	vst v9  }
0x20: {  	s16 =	simm.s32 $0x100;
	[tilespmem:$0xF0] =	vst v10  }
0x21: {  	[tilespmem:s16], [sflag:$0x1] =	stream.indirect_vreg.gather [hbm4b:s1+s3], $0x80, v11, vm0, $0xb8;
	[tilespmem:$0x18100] =	vst v63  }
0x22: {  	_ = 	snop  }
0x23: {  	[tilespmem:s17], [sflag:$0x1] =	stream.indirect_vreg.gather [hbm4b:s5+s3], $0x80, v11, vm0, $0xb8;
	[tilespmem:$0x18100] =	vst v63  }
0x24: {  	_ = 	snop  }
0x25: {  	[tilespmem:s18], [sflag:$0x1] =	stream.indirect_vreg.gather [hbm4b:s6+s3], $0x80, v11, vm0, $0xb8;
	[tilespmem:$0x18100] =	vst v63  }
0x26: {  	_ = 	snop  }
0x27: {  	[tilespmem:s19], [sflag:$0x1] =	stream.indirect_vreg.gather [hbm4b:s1+s3], $0x80, v12, vm0, $0xb8;
	[tilespmem:$0x18100] =	vst v63  }
0x28: {  	_ = 	snop  }
0x29: {  	[tilespmem:s20], [sflag:$0x1] =	stream.indirect_vreg.gather [hbm4b:s5+s3], $0x80, v12, vm0, $0xb8;
	[tilespmem:$0x18100] =	vst v63  }
0x2a: {  	_ = 	snop  }
0x2b: {  	[tilespmem:s21], [sflag:$0x1] =	stream.indirect_vreg.gather [hbm4b:s6+s3], $0x80, v12, vm0, $0xb8;
	[tilespmem:$0x18100] =	vst v63  }
0x2c: {  	v13 =	vld [tilespmem:$0x90];
	_ =	sdelay $0x4  }
0x2d: {  	v14 =	vshrl.u32 v13, $0x3  }
0x2e: {  	v14 =	vmul.u32 $0x30, v14  }
0x2f: {  	v13 =	vand.u32 $0x7, v13  }
0x30: {  	v13 =	vor.u32 v13, v14  }
0x31: {  	v14 =	vperm.xlane v13, v5;
	_ =	sdelay $0x1  }
0x32: {  	v14 =	vadd.s32 v7, v14;
	_ =	sdelay $0x3  }
0x33: {  	v13 =	vperm.xlane v13, v6  }
0x34: {  	[tilespmem:s22], [sflag:$0x1] =	stream.indirect_vreg.gather [hbm4b:s1+s3], $0x80, v14, vm0, $0xb8;
	[tilespmem:$0x18100] =	vst v63  }
0x35: {  	v13 =	vadd.s32 v7, v13  }
0x36: {  	[tilespmem:s23], [sflag:$0x1] =	stream.indirect_vreg.gather [hbm4b:s5+s3], $0x80, v14, vm0, $0xb8;
	[tilespmem:$0x18100] =	vst v63  }
0x37: {  	_ = 	snop  }
0x38: {  	[tilespmem:s24], [sflag:$0x1] =	stream.indirect_vreg.gather [hbm4b:s6+s3], $0x80, v14, vm0, $0xb8;
	[tilespmem:$0x18100] =	vst v63  }
0x39: {  	_ = 	snop  }
0x3a: {  	[tilespmem:s25], [sflag:$0x1] =	stream.indirect_vreg.gather [hbm4b:s1+s3], $0x80, v13, vm0, $0xb8;
	[tilespmem:$0x18100] =	vst v63  }
0x3b: {  	_ = 	snop  }
0x3c: {  	[tilespmem:s26], [sflag:$0x1] =	stream.indirect_vreg.gather [hbm4b:s5+s3], $0x80, v13, vm0, $0xb8;
	[tilespmem:$0x18100] =	vst v63  }
0x3d: {  	_ = 	snop  }
0x3e: {  	[tilespmem:s28], [sflag:$0x1] =	stream.indirect_vreg.gather [hbm4b:s6+s3], $0x80, v13, vm0, $0xb8;
	[tilespmem:$0x18100] =	vst v63  }
0x3f: {  	v13 =	vld [tilespmem:$0xA0];
	_ =	sdelay $0x4  }
0x40: {  	v14 =	vshrl.u32 v13, $0x3  }
0x41: {  	v14 =	vmul.u32 $0x30, v14  }
0x42: {  	v13 =	vand.u32 $0x7, v13  }
0x43: {  	v13 =	vor.u32 v13, v14  }
0x44: {  	v14 =	vperm.xlane v13, v5;
	_ =	sdelay $0x1  }
0x45: {  	v14 =	vadd.s32 v7, v14;
	_ =	sdelay $0x3  }
0x46: {  	v13 =	vperm.xlane v13, v6  }
0x47: {  	[tilespmem:s29], [sflag:$0x1] =	stream.indirect_vreg.gather [hbm4b:s1+s3], $0x80, v14, vm0, $0xb8;
	[tilespmem:$0x18100] =	vst v63  }
0x48: {  	v13 =	vadd.s32 v7, v13  }
0x49: {  	[tilespmem:s30], [sflag:$0x1] =	stream.indirect_vreg.gather [hbm4b:s5+s3], $0x80, v14, vm0, $0xb8;
	[tilespmem:$0x18100] =	vst v63  }
0x4a: {  	_ = 	snop  }
0x4b: {  	[tilespmem:s31], [sflag:$0x1] =	stream.indirect_vreg.gather [hbm4b:s6+s3], $0x80, v14, vm0, $0xb8;
	[tilespmem:$0x18100] =	vst v63  }
0x4c: {  	s2 =	simm.s32 $0x7900  }
0x4d: {  	[tilespmem:s2], [sflag:$0x1] =	stream.indirect_vreg.gather [hbm4b:s1+s3], $0x80, v13, vm0, $0xb8;
	[tilespmem:$0x18100] =	vst v63  }
0x4e: {  	s2 =	simm.s32 $0x8100  }
0x4f: {  	[tilespmem:s2], [sflag:$0x1] =	stream.indirect_vreg.gather [hbm4b:s5+s3], $0x80, v13, vm0, $0xb8;
	[tilespmem:$0x18100] =	vst v63  }
0x50: {  	_ = 	snop  }
0x51: {  	[tilespmem:s11], [sflag:$0x1] =	stream.indirect_vreg.gather [hbm4b:s6+s3], $0x80, v13, vm0, $0xb8;
	[tilespmem:$0x18100] =	vst v63  }
0x52: {  	v13 =	vld [tilespmem:$0xB0];
	_ =	sdelay $0x4  }
0x53: {  	v14 =	vshrl.u32 v13, $0x3  }
0x54: {  	v14 =	vmul.u32 $0x30, v14  }
0x55: {  	v13 =	vand.u32 $0x7, v13  }
0x56: {  	v13 =	vor.u32 v13, v14  }
0x57: {  	v14 =	vperm.xlane v13, v5;
	_ =	sdelay $0x1  }
0x58: {  	v14 =	vadd.s32 v7, v14;
	_ =	sdelay $0x3  }
0x59: {  	v13 =	vperm.xlane v13, v6  }
0x5a: {  	[tilespmem:s12], [sflag:$0x1] =	stream.indirect_vreg.gather [hbm4b:s1+s3], $0x80, v14, vm0, $0xb8;
	[tilespmem:$0x18100] =	vst v63  }
0x5b: {  	v13 =	vadd.s32 v7, v13  }
0x5c: {  	[tilespmem:s13], [sflag:$0x1] =	stream.indirect_vreg.gather [hbm4b:s5+s3], $0x80, v14, vm0, $0xb8;
	[tilespmem:$0x18100] =	vst v63  }
0x5d: {  	_ = 	snop  }
0x5e: {  	[tilespmem:s14], [sflag:$0x1] =	stream.indirect_vreg.gather [hbm4b:s6+s3], $0x80, v14, vm0, $0xb8;
	[tilespmem:$0x18100] =	vst v63  }
0x5f: {  	_ = 	snop  }
0x60: {  	[tilespmem:s10], [sflag:$0x1] =	stream.indirect_vreg.gather [hbm4b:s1+s3], $0x80, v13, vm0, $0xb8;
	[tilespmem:$0x18100] =	vst v63  }
0x61: {  	s0 =	simm.s32 $0xB100  }
0x62: {  	[tilespmem:s0], [sflag:$0x1] =	stream.indirect_vreg.gather [hbm4b:s5+s3], $0x80, v13, vm0, $0xb8;
	[tilespmem:$0x18100] =	vst v63  }
0x63: {  	s0 =	simm.s32 $0xB900  }
0x64: {  	[tilespmem:s0], [sflag:$0x1] =	stream.indirect_vreg.gather [hbm4b:s6+s3], $0x80, v13, vm0, $0xb8;
	[tilespmem:$0x18100] =	vst v63  }
0x65: {  	v13 =	vld [tilespmem:$0xC0];
	_ =	sdelay $0x4  }
0x66: {  	v14 =	vshrl.u32 v13, $0x3  }
0x67: {  	v14 =	vmul.u32 $0x30, v14  }
0x68: {  	v13 =	vand.u32 $0x7, v13  }
0x69: {  	v13 =	vor.u32 v13, v14  }
0x6a: {  	v14 =	vperm.xlane v13, v5;
	_ =	sdelay $0x1  }
0x6b: {  	v14 =	vadd.s32 v7, v14;
	_ =	sdelay $0x3  }
0x6c: {  	s0 =	simm.s32 $0xC100;
	v13 =	vperm.xlane v13, v6  }
0x6d: {  	[tilespmem:s0], [sflag:$0x1] =	stream.indirect_vreg.gather [hbm4b:s1+s3], $0x80, v14, vm0, $0xb8;
	[tilespmem:$0x18100] =	vst v63  }
0x6e: {  	v13 =	vadd.s32 v7, v13;
	s0 =	simm.s32 $0xC900  }
0x6f: {  	[tilespmem:s0], [sflag:$0x1] =	stream.indirect_vreg.gather [hbm4b:s5+s3], $0x80, v14, vm0, $0xb8;
	[tilespmem:$0x18100] =	vst v63  }
0x70: {  	s0 =	simm.s32 $0xD100  }
0x71: {  	[tilespmem:s0], [sflag:$0x1] =	stream.indirect_vreg.gather [hbm4b:s6+s3], $0x80, v14, vm0, $0xb8;
	[tilespmem:$0x18100] =	vst v63  }
0x72: {  	s0 =	simm.s32 $0xD900  }
0x73: {  	[tilespmem:s0], [sflag:$0x1] =	stream.indirect_vreg.gather [hbm4b:s1+s3], $0x80, v13, vm0, $0xb8;
	[tilespmem:$0x18100] =	vst v63  }
0x74: {  	s0 =	simm.s32 $0xE100  }
0x75: {  	[tilespmem:s0], [sflag:$0x1] =	stream.indirect_vreg.gather [hbm4b:s5+s3], $0x80, v13, vm0, $0xb8;
	[tilespmem:$0x18100] =	vst v63  }
0x76: {  	s0 =	simm.s32 $0xE900  }
0x77: {  	[tilespmem:s0], [sflag:$0x1] =	stream.indirect_vreg.gather [hbm4b:s6+s3], $0x80, v13, vm0, $0xb8;
	[tilespmem:$0x18100] =	vst v63  }
0x78: {  	v13 =	vld [tilespmem:$0xD0];
	_ =	sdelay $0x4  }
0x79: {  	v14 =	vshrl.u32 v13, $0x3  }
0x7a: {  	v14 =	vmul.u32 $0x30, v14  }
0x7b: {  	v13 =	vand.u32 $0x7, v13  }
0x7c: {  	v13 =	vor.u32 v13, v14  }
0x7d: {  	v14 =	vperm.xlane v13, v5;
	_ =	sdelay $0x1  }
0x7e: {  	v14 =	vadd.s32 v7, v14;
	_ =	sdelay $0x3  }
0x7f: {  	s0 =	simm.s32 $0xF100;
	v13 =	vperm.xlane v13, v6  }
0x80: {  	[tilespmem:s0], [sflag:$0x1] =	stream.indirect_vreg.gather [hbm4b:s1+s3], $0x80, v14, vm0, $0xb8;
	[tilespmem:$0x18100] =	vst v63  }
0x81: {  	v13 =	vadd.s32 v7, v13;
	s0 =	simm.s32 $0xF900  }
0x82: {  	[tilespmem:s0], [sflag:$0x1] =	stream.indirect_vreg.gather [hbm4b:s5+s3], $0x80, v14, vm0, $0xb8;
	[tilespmem:$0x18100] =	vst v63  }
0x83: {  	s0 =	simm.s32 $0x10100  }
0x84: {  	[tilespmem:s0], [sflag:$0x1] =	stream.indirect_vreg.gather [hbm4b:s6+s3], $0x80, v14, vm0, $0xb8;
	[tilespmem:$0x18100] =	vst v63  }
0x85: {  	s0 =	simm.s32 $0x10900  }
0x86: {  	[tilespmem:s0], [sflag:$0x1] =	stream.indirect_vreg.gather [hbm4b:s1+s3], $0x80, v13, vm0, $0xb8;
	[tilespmem:$0x18100] =	vst v63  }
0x87: {  	s0 =	simm.s32 $0x11100  }
0x88: {  	[tilespmem:s0], [sflag:$0x1] =	stream.indirect_vreg.gather [hbm4b:s5+s3], $0x80, v13, vm0, $0xb8;
	[tilespmem:$0x18100] =	vst v63  }
0x89: {  	s0 =	simm.s32 $0x11900  }
0x8a: {  	[tilespmem:s0], [sflag:$0x1] =	stream.indirect_vreg.gather [hbm4b:s6+s3], $0x80, v13, vm0, $0xb8;
	[tilespmem:$0x18100] =	vst v63  }
0x8b: {  	v13 =	vld [tilespmem:$0xE0];
	_ =	sdelay $0x4  }
0x8c: {  	v14 =	vshrl.u32 v13, $0x3  }
0x8d: {  	v14 =	vmul.u32 $0x30, v14  }
0x8e: {  	v13 =	vand.u32 $0x7, v13  }
0x8f: {  	v13 =	vor.u32 v13, v14  }
0x90: {  	v14 =	vperm.xlane v13, v5;
	_ =	sdelay $0x1  }
0x91: {  	v14 =	vadd.s32 v7, v14;
	_ =	sdelay $0x3  }
0x92: {  	s0 =	simm.s32 $0x12100;
	v13 =	vperm.xlane v13, v6  }
0x93: {  	[tilespmem:s0], [sflag:$0x1] =	stream.indirect_vreg.gather [hbm4b:s1+s3], $0x80, v14, vm0, $0xb8;
	[tilespmem:$0x18100] =	vst v63  }
0x94: {  	v13 =	vadd.s32 v7, v13;
	s0 =	simm.s32 $0x12900  }
0x95: {  	[tilespmem:s0], [sflag:$0x1] =	stream.indirect_vreg.gather [hbm4b:s5+s3], $0x80, v14, vm0, $0xb8;
	[tilespmem:$0x18100] =	vst v63  }
0x96: {  	s0 =	simm.s32 $0x13100  }
0x97: {  	[tilespmem:s0], [sflag:$0x1] =	stream.indirect_vreg.gather [hbm4b:s6+s3], $0x80, v14, vm0, $0xb8;
	[tilespmem:$0x18100] =	vst v63  }
0x98: {  	s0 =	simm.s32 $0x13900  }
0x99: {  	[tilespmem:s0], [sflag:$0x1] =	stream.indirect_vreg.gather [hbm4b:s1+s3], $0x80, v13, vm0, $0xb8;
	[tilespmem:$0x18100] =	vst v63  }
0x9a: {  	s0 =	simm.s32 $0x14100  }
0x9b: {  	[tilespmem:s0], [sflag:$0x1] =	stream.indirect_vreg.gather [hbm4b:s5+s3], $0x80, v13, vm0, $0xb8;
	[tilespmem:$0x18100] =	vst v63  }
0x9c: {  	s0 =	simm.s32 $0x14900  }
0x9d: {  	[tilespmem:s0], [sflag:$0x1] =	stream.indirect_vreg.gather [hbm4b:s6+s3], $0x80, v13, vm0, $0xb8;
	[tilespmem:$0x18100] =	vst v63  }
0x9e: {  	v13 =	vld [tilespmem:$0xF0];
	_ =	sdelay $0x4  }
0x9f: {  	v14 =	vshrl.u32 v13, $0x3  }
0xa0: {  	v14 =	vmul.u32 $0x30, v14  }
0xa1: {  	v13 =	vand.u32 $0x7, v13  }
0xa2: {  	v13 =	vor.u32 v13, v14  }
0xa3: {  	v14 =	vperm.xlane v13, v5;
	_ =	sdelay $0x1  }
0xa4: {  	v14 =	vadd.s32 v7, v14;
	_ =	sdelay $0x3  }
0xa5: {  	s0 =	simm.s32 $0x15100;
	v13 =	vperm.xlane v13, v6  }
0xa6: {  	[tilespmem:s0], [sflag:$0x1] =	stream.indirect_vreg.gather [hbm4b:s1+s3], $0x80, v14, vm0, $0xb8;
	[tilespmem:$0x18100] =	vst v63  }
0xa7: {  	v13 =	vadd.s32 v7, v13;
	s0 =	simm.s32 $0x15900  }
0xa8: {  	[tilespmem:s0], [sflag:$0x1] =	stream.indirect_vreg.gather [hbm4b:s5+s3], $0x80, v14, vm0, $0xb8;
	[tilespmem:$0x18100] =	vst v63  }
0xa9: {  	s0 =	simm.s32 $0x16100  }
0xaa: {  	[tilespmem:s0], [sflag:$0x1] =	stream.indirect_vreg.gather [hbm4b:s6+s3], $0x80, v14, vm0, $0xb8;
	[tilespmem:$0x18100] =	vst v63  }
0xab: {  	s0 =	simm.s32 $0x16900  }
0xac: {  	[tilespmem:s0], [sflag:$0x1] =	stream.indirect_vreg.gather [hbm4b:s1+s3], $0x80, v13, vm0, $0xb8;
	[tilespmem:$0x18100] =	vst v63  }
0xad: {  	s0 =	simm.s32 $0x17100  }
0xae: {  	[tilespmem:s0], [sflag:$0x1] =	stream.indirect_vreg.gather [hbm4b:s5+s3], $0x80, v13, vm0, $0xb8;
	[tilespmem:$0x18100] =	vst v63  }
0xaf: {  	s0 =	simm.s32 $0x17900  }
0xb0: {  	[tilespmem:s0], [sflag:$0x1] =	stream.indirect_vreg.gather [hbm4b:s6+s3], $0x80, v13, vm0, $0xb8;
	[tilespmem:$0x18100] =	vst v63  }
0xb1: {  	_ =	swait.ge [sflag:s15], $0x18000  }
0xb2: {  	[sflag:s15] =	ssyncset.done $0x0  }
0xb3: {  	[sflag:s15] =	ssyncadd.s32 $0xFFFE8000  }
0xb4: {  	v13 =	vld [tilespmem:$0x0];
	_ =	sdelay $0x4  }
0xb5: {  	v14 =	vshrl.u32 v13, $0x3  }
0xb6: {  	v14 =	vmul.u32 $0x30, v14  }
0xb7: {  	v13 =	vand.u32 $0x7, v13  }
0xb8: {  	v13 =	vor.u32 v13, v14  }
0xb9: {  	v14 =	vperm.xlane v13, v5;
	_ =	sdelay $0x1  }
0xba: {  	v14 =	vadd.s32 v7, v14;
	_ =	sdelay $0x3  }
0xbb: {  	v13 =	vperm.xlane v13, v6  }
0xbc: {  	[hbm4b:s4+s3] =	stream.indirect_vreg.scatter [tilespmem:s16], [sflag:$0x1], $0x80, v14, vm0, $0xb8;
	[tilespmem:$0x18100] =	vst v63  }
0xbd: {  	v13 =	vadd.s32 v7, v13  }
0xbe: {  	[hbm4b:s7+s3] =	stream.indirect_vreg.scatter [tilespmem:s17], [sflag:$0x1], $0x80, v14, vm0, $0xb8;
	[tilespmem:$0x18100] =	vst v63  }
0xbf: {  	_ = 	snop  }
0xc0: {  	[hbm4b:s8+s3] =	stream.indirect_vreg.scatter [tilespmem:s18], [sflag:$0x1], $0x80, v14, vm0, $0xb8;
	[tilespmem:$0x18100] =	vst v63  }
0xc1: {  	_ = 	snop  }
0xc2: {  	[hbm4b:s4+s3] =	stream.indirect_vreg.scatter [tilespmem:s19], [sflag:$0x1], $0x80, v13, vm0, $0xb8;
	[tilespmem:$0x18100] =	vst v63  }
0xc3: {  	_ = 	snop  }
0xc4: {  	[hbm4b:s7+s3] =	stream.indirect_vreg.scatter [tilespmem:s20], [sflag:$0x1], $0x80, v13, vm0, $0xb8;
	[tilespmem:$0x18100] =	vst v63  }
0xc5: {  	_ = 	snop  }
0xc6: {  	[hbm4b:s8+s3] =	stream.indirect_vreg.scatter [tilespmem:s21], [sflag:$0x1], $0x80, v13, vm0, $0xb8;
	[tilespmem:$0x18100] =	vst v63  }
0xc7: {  	v13 =	vld [tilespmem:$0x10];
	_ =	sdelay $0x4  }
0xc8: {  	v14 =	vshrl.u32 v13, $0x3  }
0xc9: {  	v14 =	vmul.u32 $0x30, v14  }
0xca: {  	v13 =	vand.u32 $0x7, v13  }
0xcb: {  	v13 =	vor.u32 v13, v14  }
0xcc: {  	v14 =	vperm.xlane v13, v5;
	_ =	sdelay $0x1  }
0xcd: {  	v14 =	vadd.s32 v7, v14;
	_ =	sdelay $0x3  }
0xce: {  	v13 =	vperm.xlane v13, v6  }
0xcf: {  	[hbm4b:s4+s3] =	stream.indirect_vreg.scatter [tilespmem:s22], [sflag:$0x1], $0x80, v14, vm0, $0xb8;
	[tilespmem:$0x18100] =	vst v63  }
0xd0: {  	v13 =	vadd.s32 v7, v13  }
0xd1: {  	[hbm4b:s7+s3] =	stream.indirect_vreg.scatter [tilespmem:s23], [sflag:$0x1], $0x80, v14, vm0, $0xb8;
	[tilespmem:$0x18100] =	vst v63  }
0xd2: {  	_ = 	snop  }
0xd3: {  	[hbm4b:s8+s3] =	stream.indirect_vreg.scatter [tilespmem:s24], [sflag:$0x1], $0x80, v14, vm0, $0xb8;
	[tilespmem:$0x18100] =	vst v63  }
0xd4: {  	_ = 	snop  }
0xd5: {  	[hbm4b:s4+s3] =	stream.indirect_vreg.scatter [tilespmem:s25], [sflag:$0x1], $0x80, v13, vm0, $0xb8;
	[tilespmem:$0x18100] =	vst v63  }
0xd6: {  	_ = 	snop  }
0xd7: {  	[hbm4b:s7+s3] =	stream.indirect_vreg.scatter [tilespmem:s26], [sflag:$0x1], $0x80, v13, vm0, $0xb8;
	[tilespmem:$0x18100] =	vst v63  }
0xd8: {  	_ = 	snop  }
0xd9: {  	[hbm4b:s8+s3] =	stream.indirect_vreg.scatter [tilespmem:s28], [sflag:$0x1], $0x80, v13, vm0, $0xb8;
	[tilespmem:$0x18100] =	vst v63  }
0xda: {  	v13 =	vld [tilespmem:$0x20];
	_ =	sdelay $0x4  }
0xdb: {  	v14 =	vshrl.u32 v13, $0x3  }
0xdc: {  	v14 =	vmul.u32 $0x30, v14  }
0xdd: {  	v13 =	vand.u32 $0x7, v13  }
0xde: {  	v13 =	vor.u32 v13, v14  }
0xdf: {  	v14 =	vperm.xlane v13, v5;
	_ =	sdelay $0x1  }
0xe0: {  	v14 =	vadd.s32 v7, v14;
	_ =	sdelay $0x3  }
0xe1: {  	v13 =	vperm.xlane v13, v6  }
0xe2: {  	[hbm4b:s4+s3] =	stream.indirect_vreg.scatter [tilespmem:s29], [sflag:$0x1], $0x80, v14, vm0, $0xb8;
	[tilespmem:$0x18100] =	vst v63  }
0xe3: {  	v13 =	vadd.s32 v7, v13  }
0xe4: {  	[hbm4b:s7+s3] =	stream.indirect_vreg.scatter [tilespmem:s30], [sflag:$0x1], $0x80, v14, vm0, $0xb8;
	[tilespmem:$0x18100] =	vst v63  }
0xe5: {  	_ = 	snop  }
0xe6: {  	[hbm4b:s8+s3] =	stream.indirect_vreg.scatter [tilespmem:s31], [sflag:$0x1], $0x80, v14, vm0, $0xb8;
	[tilespmem:$0x18100] =	vst v63  }
0xe7: {  	s16 =	simm.s32 $0x7900  }
0xe8: {  	[hbm4b:s4+s3] =	stream.indirect_vreg.scatter [tilespmem:s16], [sflag:$0x1], $0x80, v13, vm0, $0xb8;
	[tilespmem:$0x18100] =	vst v63  }
0xe9: {  	_ = 	snop  }
0xea: {  	[hbm4b:s7+s3] =	stream.indirect_vreg.scatter [tilespmem:s2], [sflag:$0x1], $0x80, v13, vm0, $0xb8;
	[tilespmem:$0x18100] =	vst v63  }
0xeb: {  	_ = 	snop  }
0xec: {  	[hbm4b:s8+s3] =	stream.indirect_vreg.scatter [tilespmem:s11], [sflag:$0x1], $0x80, v13, vm0, $0xb8;
	[tilespmem:$0x18100] =	vst v63  }
0xed: {  	v13 =	vld [tilespmem:$0x30];
	_ =	sdelay $0x4  }
0xee: {  	v14 =	vshrl.u32 v13, $0x3  }
0xef: {  	v14 =	vmul.u32 $0x30, v14  }
0xf0: {  	v13 =	vand.u32 $0x7, v13  }
0xf1: {  	v13 =	vor.u32 v13, v14  }
0xf2: {  	v14 =	vperm.xlane v13, v5;
	_ =	sdelay $0x1  }
0xf3: {  	v14 =	vadd.s32 v7, v14;
	_ =	sdelay $0x3  }
0xf4: {  	v13 =	vperm.xlane v13, v6  }
0xf5: {  	[hbm4b:s4+s3] =	stream.indirect_vreg.scatter [tilespmem:s12], [sflag:$0x1], $0x80, v14, vm0, $0xb8;
	[tilespmem:$0x18100] =	vst v63  }
0xf6: {  	v13 =	vadd.s32 v7, v13  }
0xf7: {  	[hbm4b:s7+s3] =	stream.indirect_vreg.scatter [tilespmem:s13], [sflag:$0x1], $0x80, v14, vm0, $0xb8;
	[tilespmem:$0x18100] =	vst v63  }
0xf8: {  	_ = 	snop  }
0xf9: {  	[hbm4b:s8+s3] =	stream.indirect_vreg.scatter [tilespmem:s14], [sflag:$0x1], $0x80, v14, vm0, $0xb8;
	[tilespmem:$0x18100] =	vst v63  }
0xfa: {  	_ = 	snop  }
0xfb: {  	[hbm4b:s4+s3] =	stream.indirect_vreg.scatter [tilespmem:s10], [sflag:$0x1], $0x80, v13, vm0, $0xb8;
	[tilespmem:$0x18100] =	vst v63  }
0xfc: {  	s16 =	simm.s32 $0xB100  }
0xfd: {  	[hbm4b:s7+s3] =	stream.indirect_vreg.scatter [tilespmem:s16], [sflag:$0x1], $0x80, v13, vm0, $0xb8;
	[tilespmem:$0x18100] =	vst v63  }
0xfe: {  	s16 =	simm.s32 $0xB900  }
0xff: {  	[hbm4b:s8+s3] =	stream.indirect_vreg.scatter [tilespmem:s16], [sflag:$0x1], $0x80, v13, vm0, $0xb8;
	[tilespmem:$0x18100] =	vst v63  }
0x100: {  	v13 =	vld [tilespmem:$0x40];
	_ =	sdelay $0x4  }
0x101: {  	v14 =	vshrl.u32 v13, $0x3  }
0x102: {  	v14 =	vmul.u32 $0x30, v14  }
0x103: {  	v13 =	vand.u32 $0x7, v13  }
0x104: {  	v13 =	vor.u32 v13, v14  }
0x105: {  	v14 =	vperm.xlane v13, v5;
	_ =	sdelay $0x1  }
0x106: {  	v14 =	vadd.s32 v7, v14;
	_ =	sdelay $0x3  }
0x107: {  	s16 =	simm.s32 $0xC100;
	v13 =	vperm.xlane v13, v6  }
0x108: {  	[hbm4b:s4+s3] =	stream.indirect_vreg.scatter [tilespmem:s16], [sflag:$0x1], $0x80, v14, vm0, $0xb8;
	[tilespmem:$0x18100] =	vst v63  }
0x109: {  	v13 =	vadd.s32 v7, v13;
	s16 =	simm.s32 $0xC900  }
0x10a: {  	[hbm4b:s7+s3] =	stream.indirect_vreg.scatter [tilespmem:s16], [sflag:$0x1], $0x80, v14, vm0, $0xb8;
	[tilespmem:$0x18100] =	vst v63  }
0x10b: {  	s16 =	simm.s32 $0xD100  }
0x10c: {  	[hbm4b:s8+s3] =	stream.indirect_vreg.scatter [tilespmem:s16], [sflag:$0x1], $0x80, v14, vm0, $0xb8;
	[tilespmem:$0x18100] =	vst v63  }
0x10d: {  	s16 =	simm.s32 $0xD900  }
0x10e: {  	[hbm4b:s4+s3] =	stream.indirect_vreg.scatter [tilespmem:s16], [sflag:$0x1], $0x80, v13, vm0, $0xb8;
	[tilespmem:$0x18100] =	vst v63  }
0x10f: {  	s16 =	simm.s32 $0xE100  }
0x110: {  	[hbm4b:s7+s3] =	stream.indirect_vreg.scatter [tilespmem:s16], [sflag:$0x1], $0x80, v13, vm0, $0xb8;
	[tilespmem:$0x18100] =	vst v63  }
0x111: {  	s16 =	simm.s32 $0xE900  }
0x112: {  	[hbm4b:s8+s3] =	stream.indirect_vreg.scatter [tilespmem:s16], [sflag:$0x1], $0x80, v13, vm0, $0xb8;
	[tilespmem:$0x18100] =	vst v63  }
0x113: {  	v13 =	vld [tilespmem:$0x50];
	_ =	sdelay $0x4  }
0x114: {  	v14 =	vshrl.u32 v13, $0x3  }
0x115: {  	v14 =	vmul.u32 $0x30, v14  }
0x116: {  	v13 =	vand.u32 $0x7, v13  }
0x117: {  	v13 =	vor.u32 v13, v14  }
0x118: {  	v14 =	vperm.xlane v13, v5;
	_ =	sdelay $0x1  }
0x119: {  	v14 =	vadd.s32 v7, v14;
	_ =	sdelay $0x3  }
0x11a: {  	s16 =	simm.s32 $0xF100;
	v13 =	vperm.xlane v13, v6  }
0x11b: {  	[hbm4b:s4+s3] =	stream.indirect_vreg.scatter [tilespmem:s16], [sflag:$0x1], $0x80, v14, vm0, $0xb8;
	[tilespmem:$0x18100] =	vst v63  }
0x11c: {  	v13 =	vadd.s32 v7, v13;
	s16 =	simm.s32 $0xF900  }
0x11d: {  	[hbm4b:s7+s3] =	stream.indirect_vreg.scatter [tilespmem:s16], [sflag:$0x1], $0x80, v14, vm0, $0xb8;
	[tilespmem:$0x18100] =	vst v63  }
0x11e: {  	s16 =	simm.s32 $0x10100  }
0x11f: {  	[hbm4b:s8+s3] =	stream.indirect_vreg.scatter [tilespmem:s16], [sflag:$0x1], $0x80, v14, vm0, $0xb8;
	[tilespmem:$0x18100] =	vst v63  }
0x120: {  	s16 =	simm.s32 $0x10900  }
0x121: {  	[hbm4b:s4+s3] =	stream.indirect_vreg.scatter [tilespmem:s16], [sflag:$0x1], $0x80, v13, vm0, $0xb8;
	[tilespmem:$0x18100] =	vst v63  }
0x122: {  	s16 =	simm.s32 $0x11100  }
0x123: {  	[hbm4b:s7+s3] =	stream.indirect_vreg.scatter [tilespmem:s16], [sflag:$0x1], $0x80, v13, vm0, $0xb8;
	[tilespmem:$0x18100] =	vst v63  }
0x124: {  	s16 =	simm.s32 $0x11900  }
0x125: {  	[hbm4b:s8+s3] =	stream.indirect_vreg.scatter [tilespmem:s16], [sflag:$0x1], $0x80, v13, vm0, $0xb8;
	[tilespmem:$0x18100] =	vst v63  }
0x126: {  	v13 =	vld [tilespmem:$0x60];
	_ =	sdelay $0x4  }
0x127: {  	v14 =	vshrl.u32 v13, $0x3  }
0x128: {  	v14 =	vmul.u32 $0x30, v14  }
0x129: {  	v13 =	vand.u32 $0x7, v13  }
0x12a: {  	v13 =	vor.u32 v13, v14  }
0x12b: {  	v14 =	vperm.xlane v13, v5;
	_ =	sdelay $0x1  }
0x12c: {  	v14 =	vadd.s32 v7, v14;
	_ =	sdelay $0x3  }
0x12d: {  	s16 =	simm.s32 $0x12100;
	v13 =	vperm.xlane v13, v6  }
0x12e: {  	[hbm4b:s4+s3] =	stream.indirect_vreg.scatter [tilespmem:s16], [sflag:$0x1], $0x80, v14, vm0, $0xb8;
	[tilespmem:$0x18100] =	vst v63  }
0x12f: {  	v13 =	vadd.s32 v7, v13;
	s16 =	simm.s32 $0x12900  }
0x130: {  	[hbm4b:s7+s3] =	stream.indirect_vreg.scatter [tilespmem:s16], [sflag:$0x1], $0x80, v14, vm0, $0xb8;
	[tilespmem:$0x18100] =	vst v63  }
0x131: {  	s16 =	simm.s32 $0x13100  }
0x132: {  	[hbm4b:s8+s3] =	stream.indirect_vreg.scatter [tilespmem:s16], [sflag:$0x1], $0x80, v14, vm0, $0xb8;
	[tilespmem:$0x18100] =	vst v63  }
0x133: {  	s16 =	simm.s32 $0x13900  }
0x134: {  	[hbm4b:s4+s3] =	stream.indirect_vreg.scatter [tilespmem:s16], [sflag:$0x1], $0x80, v13, vm0, $0xb8;
	[tilespmem:$0x18100] =	vst v63  }
0x135: {  	s16 =	simm.s32 $0x14100  }
0x136: {  	[hbm4b:s7+s3] =	stream.indirect_vreg.scatter [tilespmem:s16], [sflag:$0x1], $0x80, v13, vm0, $0xb8;
	[tilespmem:$0x18100] =	vst v63  }
0x137: {  	s16 =	simm.s32 $0x14900  }
0x138: {  	[hbm4b:s8+s3] =	stream.indirect_vreg.scatter [tilespmem:s16], [sflag:$0x1], $0x80, v13, vm0, $0xb8;
	[tilespmem:$0x18100] =	vst v63  }
0x139: {  	v13 =	vld [tilespmem:$0x70];
	_ =	sdelay $0x4  }
0x13a: {  	v14 =	vshrl.u32 v13, $0x3  }
0x13b: {  	v14 =	vmul.u32 $0x30, v14  }
0x13c: {  	v13 =	vand.u32 $0x7, v13  }
0x13d: {  	v13 =	vor.u32 v13, v14  }
0x13e: {  	v14 =	vperm.xlane v13, v5;
	_ =	sdelay $0x1  }
0x13f: {  	v14 =	vadd.s32 v7, v14;
	_ =	sdelay $0x3  }
0x140: {  	s16 =	simm.s32 $0x15100;
	v13 =	vperm.xlane v13, v6  }
0x141: {  	[hbm4b:s4+s3] =	stream.indirect_vreg.scatter [tilespmem:s16], [sflag:$0x1], $0x80, v14, vm0, $0xb8;
	[tilespmem:$0x18100] =	vst v63  }
0x142: {  	v13 =	vadd.s32 v7, v13;
	s16 =	simm.s32 $0x15900  }
0x143: {  	[hbm4b:s7+s3] =	stream.indirect_vreg.scatter [tilespmem:s16], [sflag:$0x1], $0x80, v14, vm0, $0xb8;
	[tilespmem:$0x18100] =	vst v63  }
0x144: {  	s16 =	simm.s32 $0x16100  }
0x145: {  	[hbm4b:s8+s3] =	stream.indirect_vreg.scatter [tilespmem:s16], [sflag:$0x1], $0x80, v14, vm0, $0xb8;
	[tilespmem:$0x18100] =	vst v63  }
0x146: {  	s16 =	simm.s32 $0x16900  }
0x147: {  	[hbm4b:s4+s3] =	stream.indirect_vreg.scatter [tilespmem:s16], [sflag:$0x1], $0x80, v13, vm0, $0xb8;
	[tilespmem:$0x18100] =	vst v63  }
0x148: {  	p0 =	sne.s32 s9, $0x1;
	s16 =	simm.s32 $0x17100  }
0x149: {  	[hbm4b:s7+s3] =	stream.indirect_vreg.scatter [tilespmem:s16], [sflag:$0x1], $0x80, v13, vm0, $0xb8;
	[tilespmem:$0x18100] =	vst v63  }
.Ltmp0:
0x14a: {  	_ = 	snop;
	(pc) =	sbr.rel @p0 .LBB2_1-.Ltmp0, $4  }
0x14b: {  	[hbm4b:s8+s3] =	stream.indirect_vreg.scatter [tilespmem:s0], [sflag:$0x1], $0x80, v13, vm0, $0xb8;
	[tilespmem:$0x18100] =	vst v63  }
0x14c: {  	_ =	swait.ge [sflag:s15], $0x18000  }
0x14d: {  	[sflag:s15] =	ssyncset.done $0x0  }
0x14e: {  	s9 =	sadd.s32 $0xFFFFFFFF, s9;
	[sflag:s15] =	ssyncadd.s32 $0xFFFE8000  }
0x14f: {  	_ =	sfence.sel $0x180000  }
0x150: {  	[bflag:$0x0] =	sbarrier.arrive $0xFFFF  }
0x151: {  	_ =	strace $0x90000047  }
0x152: {  	s0 =	stileid.u32;
	[bflag:$0x2] =	sbarrier.arrive $0xFFFF  }
0x153: {  	p0 =	sne.s32 s0, $0x0;
	s0 =	rddreg [dreg:$0x3]  }
0x154: {  	s0 =	sadd.s32 @!p0 $0x100000, s0  }
0x155: {  	[sflag:s0] =	ssyncadd.tile.s32 @!p0 $0x1;
	_ =	shalt  }
.Lfunc_end2:
_tile_overlayer_lowered:
.L_overlay_start_2:
0x156: {  	(tag) =	ssettag $0x2  }
0x157: {  	s0 =	rddreg [dreg:$0x0];
	s2 =	stileid.u32  }
0x158: {  	s1 =	rddreg [dreg:$0x1];
	p0 =	sne.s32 s2, $0x0  }
0x159: {  	s3 =	rddreg [dreg:$0x2];
	[bflag:$0x3] =	sbarrier.arrive $0xFFFF;
	s2 =	simm.s32 @!p0 $0x1C02  }
0x15a: {  	[timem:s3], [sflag:s2] =	dma.local @!p0 [hbm:s0], s1  }
0x15b: {  	s0 =	simm.s32 @!p0 $0x2  }
0x15c: {  	_ =	swait.ge @!p0 [sflag:s0], s1  }
0x15d: {  	s1 =	ssub.s32 @!p0 $0x0, s1;
	[sflag:s0] =	ssyncset.done @!p0 $0x0  }
0x15e: {  	[sflag:s0] =	ssyncadd.s32 @!p0 s1  }
0x15f: {  	[bflag:$0x3] =	sbarrier.arrive $0xFFFF  }
0x160: {  	_ =	shalt  }

</sc_bundles>
